<compile_context>
chip_gen: v7x
topology: tpu7x:2x2x1
jax: 0.10.2.dev20260603
libtpu: 0.0.44.dev20260713+nightly
codegen_flags: <defaults>
</compile_context>

<pallas_src>
import functools

import jax
import jax.numpy as jnp
from jax import lax
from jax.experimental import pallas as pl
from jax.experimental.pallas import tpu as pltpu
from jax.experimental.pallas import tpu_sc as plsc

N_NODES = 10000
D = 128
DO = 64
NC, NS, LANES = 2, 16, 16
NW = NC * NS
EB = 112
C = 8
R = 10240
RA = 10112
RS = R // NS
RAS = RA // NS
ROWB = 400

_mesh = plsc.VectorSubcoreMesh(core_axis_name="c", subcore_axis_name="s")

_CHUNKS = [(q * EB, EB) for q in range(RAS // EB)]
if RAS % EB:
    _CHUNKS.append((RAS - RAS % EB, RAS % EB))
_ZROWS = 64
_DCHUNKS = [(q * _ZROWS, _ZROWS) for q in range(RS // _ZROWS)]


@functools.cache
def _make_deg_kernel(nb, nbp):
    @functools.partial(
        pl.kernel,
        mesh=_mesh,
        out_type=jax.ShapeDtypeStruct((NC, R, LANES), jnp.float32),
        scratch_types=[
            pltpu.VMEM((nbp, EB), jnp.int32),
            pltpu.VMEM((EB, LANES), jnp.float32),
            pltpu.VMEM((_ZROWS, LANES), jnp.float32),
            pltpu.VMEM_SHARED((R, LANES), jnp.float32),
        ],
    )
    def deg_kernel(dst_hbm, out_hbm, idx_v, ones_v, zeros_v, deg_sh):
        c = lax.axis_index("c")
        s = lax.axis_index("s")
        w = c * NS + s

        def _fill(i, carry):
            ones_v[i, :] = jnp.ones((LANES,), jnp.float32)

            @pl.when(i < _ZROWS)
            def _():
                zeros_v[i, :] = jnp.zeros((LANES,), jnp.float32)

            return carry

        lax.fori_loop(0, EB, _fill, 0)

        base = s * RS
        for off, ln in _DCHUNKS:
            pltpu.sync_copy(zeros_v.at[pl.ds(0, ln)],
                            deg_sh.at[pl.ds(base + off, ln)])
        pltpu.sync_copy(dst_hbm.at[w], idx_v)
        plsc.subcore_barrier()

        def _acc(j, carry):
            pltpu.sync_copy(ones_v, deg_sh.at[idx_v.at[j]], add=True)
            return carry

        lax.fori_loop(0, nb, _acc, 0)
        plsc.subcore_barrier()
        pltpu.sync_copy(deg_sh.at[pl.ds(base, RS)],
                        out_hbm.at[c, pl.ds(base, RS)])

    return deg_kernel


@functools.cache
def _make_agg_kernel(nb, nbp):
    nch = nbp // C

    @functools.partial(
        pl.kernel,
        mesh=_mesh,
        out_type=jax.ShapeDtypeStruct((NC, RA, D), jnp.float32),
        scratch_types=[
            pltpu.VMEM((2, C, EB), jnp.int32),
            pltpu.VMEM((2, C, EB), jnp.int32),
            pltpu.VMEM((EB, D), jnp.float32),
            pltpu.VMEM((EB, D), jnp.float32),
            pltpu.VMEM((EB, D), jnp.float32),
            pltpu.VMEM_SHARED((RA, D), jnp.float32),
            pltpu.SemaphoreType.DMA,
            pltpu.SemaphoreType.DMA,
            pltpu.SemaphoreType.DMA,
            pltpu.SemaphoreType.DMA,
        ],
    )
    def agg_kernel(src_hbm, dst_hbm, h2_hbm, out_hbm,
                   srcc, dstc, bufa, bufb, bufc, agg_sh,
                   sema, semb, semc, semi):
        c = lax.axis_index("c")
        s = lax.axis_index("s")
        w = c * NS + s

        def _zero(i, carry):
            for k in range(D // LANES):
                bufa[i, pl.ds(k * LANES, LANES)] = jnp.zeros((LANES,),
                                                             jnp.float32)
            return carry

        lax.fori_loop(0, EB, _zero, 0)
        base = s * RAS
        for off, ln in _CHUNKS:
            pltpu.sync_copy(bufa.at[pl.ds(0, ln)],
                            agg_sh.at[pl.ds(base + off, ln)])
        pltpu.sync_copy(src_hbm.at[w, pl.ds(0, C)], srcc.at[0])
        pltpu.sync_copy(dst_hbm.at[w, pl.ds(0, C)], dstc.at[0])
        plsc.subcore_barrier()

        def _gref(j):
            return srcc.at[lax.rem(lax.div(j, C), 2), lax.rem(j, C)]

        def _sref(j):
            return dstc.at[lax.rem(lax.div(j, C), 2), lax.rem(j, C)]

        pltpu.async_copy(h2_hbm.at[_gref(0)], bufa, sema)
        pltpu.async_copy(h2_hbm.at[_gref(1)], bufb, semb)
        pltpu.async_copy(h2_hbm.at[_gref(2)], bufc, semc)

        def _triple(t, carry):
            j = t * 3
            g = lax.div(j, C)

            @pl.when(jnp.logical_and(lax.rem(j, C) < 3, g + 1 < nch))
            def _():
                pltpu.async_copy(src_hbm.at[w, pl.ds((g + 1) * C, C)],
                                 srcc.at[lax.rem(g + 1, 2)], semi)
                pltpu.async_copy(dst_hbm.at[w, pl.ds((g + 1) * C, C)],
                                 dstc.at[lax.rem(g + 1, 2)], semi)

            jc = lax.rem(j, C)

            @pl.when(jnp.logical_and(jnp.logical_and(jc >= 3, jc < 6),
                                     g + 1 < nch))
            def _():
                pltpu.make_async_copy(src_hbm.at[w, pl.ds((g + 1) * C, C)],
                                      srcc.at[lax.rem(g + 1, 2)], semi).wait()
                pltpu.make_async_copy(dst_hbm.at[w, pl.ds((g + 1) * C, C)],
                                      dstc.at[lax.rem(g + 1, 2)], semi).wait()

            pltpu.make_async_copy(h2_hbm.at[_gref(j)], bufa, sema).wait()
            pltpu.sync_copy(bufa, agg_sh.at[_sref(j)], add=True)

            @pl.when(j + 3 < nb)
            def _():
                pltpu.async_copy(h2_hbm.at[_gref(j + 3)], bufa, sema)

            pltpu.make_async_copy(h2_hbm.at[_gref(j + 1)], bufb, semb).wait()
            pltpu.sync_copy(bufb, agg_sh.at[_sref(j + 1)], add=True)

            @pl.when(j + 4 < nb)
            def _():
                pltpu.async_copy(h2_hbm.at[_gref(j + 4)], bufb, semb)

            pltpu.make_async_copy(h2_hbm.at[_gref(j + 2)], bufc, semc).wait()
            pltpu.sync_copy(bufc, agg_sh.at[_sref(j + 2)], add=True)

            @pl.when(j + 5 < nb)
            def _():
                pltpu.async_copy(h2_hbm.at[_gref(j + 5)], bufc, semc)

            return carry

        lax.fori_loop(0, nb // 3, _triple, 0)
        plsc.subcore_barrier()
        pltpu.sync_copy(agg_sh.at[pl.ds(base, RAS)],
                        out_hbm.at[c, pl.ds(base, RAS)])

    return agg_kernel


def _h2_body(x_ref, w_ref, degp_ref, o_ref):
    dg = degp_ref[...]
    deg = dg[0, :, 0:1] + dg[1, :, 0:1] + 1.0
    h = jnp.dot(x_ref[...], w_ref[...], preferred_element_type=jnp.float32)
    o_ref[...] = h * lax.rsqrt(deg)


_h2_call = pl.pallas_call(
    _h2_body,
    grid=(N_NODES // ROWB,),
    in_specs=[
        pl.BlockSpec((ROWB, D), lambda i: (i, 0)),
        pl.BlockSpec((D, D), lambda i: (0, 0)),
        pl.BlockSpec((NC, ROWB, LANES), lambda i: (0, i, 0)),
    ],
    out_specs=pl.BlockSpec((ROWB, D), lambda i: (i, 0)),
    out_shape=jax.ShapeDtypeStruct((N_NODES, D), jnp.float32),
)


def _mlp_body(aggp_ref, degp_ref, h2_ref, bg_ref, w1_ref, b1_ref, w2_ref,
              b2_ref, o_ref):
    p = aggp_ref[...]
    dg = degp_ref[...]
    deg = dg[0, :, 0:1] + dg[1, :, 0:1] + 1.0
    dinv = lax.rsqrt(deg)
    t = (p[0] + p[1] + h2_ref[...]) * dinv
    a = jnp.maximum(t + bg_ref[...], 0.0)
    m = jnp.maximum(
        jnp.dot(a, w1_ref[...], preferred_element_type=jnp.float32)
        + b1_ref[...], 0.0)
    o = jnp.dot(m, w2_ref[...], preferred_element_type=jnp.float32) + b2_ref[...]
    mx = jnp.max(o, axis=1, keepdims=True)
    lse = mx + jnp.log(jnp.sum(jnp.exp(o - mx), axis=1, keepdims=True))
    o_ref[...] = o - lse


_mlp_call = pl.pallas_call(
    _mlp_body,
    grid=(N_NODES // ROWB,),
    in_specs=[
        pl.BlockSpec((NC, ROWB, D), lambda i: (0, i, 0)),
        pl.BlockSpec((NC, ROWB, LANES), lambda i: (0, i, 0)),
        pl.BlockSpec((ROWB, D), lambda i: (i, 0)),
        pl.BlockSpec((1, D), lambda i: (0, 0)),
        pl.BlockSpec((D, D), lambda i: (0, 0)),
        pl.BlockSpec((1, D), lambda i: (0, 0)),
        pl.BlockSpec((D, DO), lambda i: (0, 0)),
        pl.BlockSpec((1, DO), lambda i: (0, 0)),
    ],
    out_specs=pl.BlockSpec((ROWB, DO), lambda i: (i, 0)),
    out_shape=jax.ShapeDtypeStruct((N_NODES, DO), jnp.float32),
)


def kernel(x, edge_index, W_gcn, b_gcn, W1, b1, W2, b2):
    e = edge_index.shape[1]
    nb = -(-e // (NW * EB))
    nb += (-nb) % 3
    nbp = -(-nb // C) * C
    padn = NW * nb * EB - e

    ei = edge_index.astype(jnp.int32)
    pidx = jnp.arange(padn, dtype=jnp.int32)
    pad_src = (pidx * 131) % N_NODES
    pad_dst = N_NODES + pidx % (RA - N_NODES)
    sd = jnp.concatenate([ei, jnp.stack([pad_src, pad_dst])], axis=1)
    sd = sd.reshape(2, NW, nb, EB)
    if nbp > nb:
        sd = jnp.pad(sd, ((0, 0), (0, 0), (0, nbp - nb), (0, 0)))
    src, dst = sd[0], sd[1]

    degp = _make_deg_kernel(nb, nbp)(dst)
    h2 = _h2_call(x, W_gcn, degp)
    aggp = _make_agg_kernel(nb, nbp)(src, dst, h2)
    return _mlp_call(aggp, degp, h2, b_gcn.reshape(1, D), W1,
                     b1.reshape(1, D), W2, b2.reshape(1, DO))

# --- scband reference (transcript-rebuilt; emitter-appended) ---
"""Pipeline reference for scband-gnn-mlp-29566554866533 (READ-ONLY COPY).

The authoritative reference and input builder live on the scoring server;
editing this copy changes nothing except your own understanding.
"""

import jax, jax.numpy as jnp
import numpy as np

N_NODES = 10000
N_EDGES = 320000
D_IN = 128
D_HID = 128
D_MLP = 128
D_OUT = 64


def setup_inputs(seed: int = 0) -> dict:
    key = jax.random.key(seed)
    ks = jax.random.split(key, 8)
    x = jax.random.normal(ks[0], (N_NODES, D_IN), dtype=jnp.float32)
    edge_index = jax.random.randint(ks[1], (2, N_EDGES), 0, N_NODES, dtype=jnp.int64)
    W_gcn = jax.random.normal(ks[2], (D_IN, D_HID), dtype=jnp.float32) * 0.05
    b_gcn = jnp.zeros((D_HID,), dtype=jnp.float32)
    W1 = jax.random.normal(ks[3], (D_HID, D_MLP), dtype=jnp.float32) * 0.05
    b1 = jnp.zeros((D_MLP,), dtype=jnp.float32)
    W2 = jax.random.normal(ks[4], (D_MLP, D_OUT), dtype=jnp.float32) * 0.05
    b2 = jnp.zeros((D_OUT,), dtype=jnp.float32)
    return {"x": x, "edge_index": edge_index, "W_gcn": W_gcn, "b_gcn": b_gcn,
            "W1": W1, "b1": b1, "W2": W2, "b2": b2}


def reference(x, edge_index, W_gcn, b_gcn, W1, b1, W2, b2):
    N = x.shape[0]
    # GCNConv: add self-loops, symmetric normalization D^-1/2 (A+I) D^-1/2
    loop = jnp.arange(N, dtype=edge_index.dtype)
    src = jnp.concatenate([edge_index[0], loop])
    dst = jnp.concatenate([edge_index[1], loop])
    ones = jnp.ones(src.shape[0], dtype=jnp.float32)
    deg = jnp.zeros((N,), dtype=jnp.float32).at[dst].add(ones)
    deg_inv_sqrt = jnp.where(deg > 0, 1.0 / jnp.sqrt(deg), 0.0)
    norm = deg_inv_sqrt[src] * deg_inv_sqrt[dst]
    h = x @ W_gcn
    msg = h[src] * norm[:, None]
    agg = jnp.zeros((N, h.shape[1]), dtype=h.dtype).at[dst].add(msg)
    out = agg + b_gcn
    out = jax.nn.relu(out)
    out = jax.nn.relu(out @ W1 + b1)
    out = out @ W2 + b2
    return jax.nn.log_softmax(out, axis=1)

if __name__ == "__main__":
    import jax
    _d = setup_inputs()
    print(jax.jit(kernel)(*tuple(_d.values())))

</pallas_src>

<mosaic_0001>
#map = affine_map<(d0, d1) -> (0, 0, 0)>
module attributes {stable_mosaic.version = 14 : i64} {
  func.func @deg_kernel(%arg0: i32, %arg1: i32, %arg2: memref<32x96x112xi32, #tpu.memory_space<hbm>>, %arg3: memref<2x10240x16xf32, #tpu.memory_space<hbm>>, %arg4: memref<96x112xi32, #tpu.memory_space<vmem>>, %arg5: memref<112x16xf32, #tpu.memory_space<vmem>>, %arg6: memref<64x16xf32, #tpu.memory_space<vmem>>, %arg7: memref<10240x16xf32, #tpu.memory_space<vmem_shared>>) attributes {dimension_semantics = [#tpu.dimension_semantics<core_parallel>, #tpu.dimension_semantics<subcore_parallel>], iteration_bounds = array<i64: 2, 16>, scalar_prefetch = 0 : i64, scratch_operands = 4 : i64, tpu.core_type = #tpu.core_type<sc_vector_subcore>, window_params = [{transform_indices = #map}, {transform_indices = #map}]} {
    %mul3A = arith.constant 16 : i32
    %mul3A_0 = arith.muli %arg0, %mul3A : i32
    %add3A = arith.addi %mul3A_0, %arg1 : i32
    %scan3A = arith.constant 0 : i32
    %scan3A_1 = arith.constant 0 : i32
    %scan3A_2 = arith.constant 112 : i32
    %scan3A_3 = arith.addi %scan3A_1, %scan3A_2 : i32
    %scan3A_4 = arith.constant 1 : i32
    scf.for %scan3A_35 = %scan3A_1 to %scan3A_3 step %scan3A_4  : i32 {
      %broadcast_in_dim3A = arith.constant 1.000000e+00 : f32
      %broadcast_in_dim3A_36 = vector.broadcast %broadcast_in_dim3A : f32 to vector<16xf32>
      %swap3A = arith.index_cast %scan3A_35 : i32 to index
      %swap3A_37 = arith.constant 0 : index
      %swap3A_38 = tpu.vector_load %arg5[%swap3A, %swap3A_37] {strides = array<i32>} : memref<112x16xf32, #tpu.memory_space<vmem>>, vector<1x16xf32>,
      %swap3A_39 = vector.shape_cast %swap3A_38 : vector<1x16xf32> to vector<16xf32>
      %swap3A_40 = vector.shape_cast %broadcast_in_dim3A_36 : vector<16xf32> to vector<1x16xf32>
      tpu.vector_store %arg5[%swap3A, %swap3A_37], %swap3A_40 {strides = array<i32>} : memref<112x16xf32, #tpu.memory_space<vmem>>, vector<1x16xf32>,
      %lt3A = arith.constant 64 : i32
      %lt3A_41 = arith.cmpi slt, %scan3A_35, %lt3A : i32
      %convert_element_type3A = arith.extui %lt3A_41 : i1 to i32
      %cond3A = arith.constant 0 : i32
      %cond3A_42 = arith.cmpi ne, %convert_element_type3A, %cond3A : i32
      scf.if %cond3A_42 {
        %broadcast_in_dim3A_43 = arith.constant 0.000000e+00 : f32
        %broadcast_in_dim3A_44 = vector.broadcast %broadcast_in_dim3A_43 : f32 to vector<16xf32>
        %swap3A_45 = arith.index_cast %scan3A_35 : i32 to index
        %swap3A_46 = arith.constant 0 : index
        %swap3A_47 = tpu.vector_load %arg6[%swap3A_45, %swap3A_46] {strides = array<i32>} : memref<64x16xf32, #tpu.memory_space<vmem>>, vector<1x16xf32>,
        %swap3A_48 = vector.shape_cast %swap3A_47 : vector<1x16xf32> to vector<16xf32>
        %swap3A_49 = vector.shape_cast %broadcast_in_dim3A_44 : vector<16xf32> to vector<1x16xf32>
        tpu.vector_store %arg6[%swap3A_45, %swap3A_46], %swap3A_49 {strides = array<i32>} : memref<64x16xf32, #tpu.memory_space<vmem>>, vector<1x16xf32>,
      } else {
      }
    }
    %scan3A_5 = arith.constant 112 : i32
    %mul3A_6 = arith.constant 640 : i32
    %mul3A_7 = arith.muli %arg1, %mul3A_6 : i32
    %add3A_8 = arith.constant 0 : i32
    %add3A_9 = arith.addi %mul3A_7, %add3A_8 : i32
    "tpu.region"() ({
      %run_scoped3A = tpu.sem_alloc : memref<!tpu.dma_semaphore, #tpu.memory_space<semaphore_mem>>
      %dma_start3A = arith.constant 0 : i32
      %dma_start3A_35 = arith.constant 0 : i32
      %dma_start3A_36 = tpu.memref_slice %arg6[%dma_start3A, %dma_start3A_35] : memref<64x16xf32, #tpu.memory_space<vmem>> -> memref<64x16xf32, #tpu.memory_space<vmem>>
      %dma_start3A_37 = arith.constant 0 : i32
      %dma_start3A_38 = tpu.memref_slice %arg7[%add3A_9, %dma_start3A_37] : memref<10240x16xf32, #tpu.memory_space<vmem_shared>> -> memref<64x16xf32, #tpu.memory_space<vmem_shared>>
      %dma_start3A_39 = arith.constant 0 : i32
      %dma_start3A_40 = tpu.memref_slice %arg7[%add3A_9, %dma_start3A_39] : memref<10240x16xf32, #tpu.memory_space<vmem_shared>> -> memref<64x16xf32, #tpu.memory_space<vmem_shared>>
      %dma_start3A_41 = arith.constant 0 : i32
      %dma_start3A_42 = arith.constant 0 : i32
      %dma_start3A_43 = tpu.memref_slice %arg6[%dma_start3A_41, %dma_start3A_42] : memref<64x16xf32, #tpu.memory_space<vmem>> -> memref<64x16xf32, #tpu.memory_space<vmem>>
      tpu.enqueue_dma source(%dma_start3A_43 : memref<64x16xf32, #tpu.memory_space<vmem>>) target(%dma_start3A_40 : memref<64x16xf32, #tpu.memory_space<vmem_shared>>) target_semaphore(%run_scoped3A : memref<!tpu.dma_semaphore, #tpu.memory_space<semaphore_mem>>)
      %dma_wait3A = arith.constant 0 : i32
      %dma_wait3A_44 = arith.constant 0 : i32
      %dma_wait3A_45 = tpu.memref_slice %arg6[%dma_wait3A, %dma_wait3A_44] : memref<64x16xf32, #tpu.memory_space<vmem>> -> memref<64x16xf32, #tpu.memory_space<vmem>>
      %dma_wait3A_46 = arith.constant 0 : i32
      %dma_wait3A_47 = tpu.memref_slice %arg7[%add3A_9, %dma_wait3A_46] : memref<10240x16xf32, #tpu.memory_space<vmem_shared>> -> memref<64x16xf32, #tpu.memory_space<vmem_shared>>
      %dma_wait3A_48 = arith.constant 0 : i32
      %dma_wait3A_49 = tpu.memref_slice %arg7[%add3A_9, %dma_wait3A_48] : memref<10240x16xf32, #tpu.memory_space<vmem_shared>> -> memref<64x16xf32, #tpu.memory_space<vmem_shared>>
      %dma_wait3A_50 = arith.constant 0 : i32
      %dma_wait3A_51 = arith.constant 0 : i32
      %dma_wait3A_52 = tpu.memref_slice %arg6[%dma_wait3A_50, %dma_wait3A_51] : memref<64x16xf32, #tpu.memory_space<vmem>> -> memref<64x16xf32, #tpu.memory_space<vmem>>
      tpu.wait_dma2 semaphore(%run_scoped3A : memref<!tpu.dma_semaphore, #tpu.memory_space<semaphore_mem>>) src(%dma_wait3A_52 : memref<64x16xf32, #tpu.memory_space<vmem>>) dst(%dma_wait3A_49 : memref<64x16xf32, #tpu.memory_space<vmem_shared>>)
      tpu.yield
    }) : () -> ()
    %add3A_10 = arith.constant 64 : i32
    %add3A_11 = arith.addi %mul3A_7, %add3A_10 : i32
    "tpu.region"() ({
      %run_scoped3A = tpu.sem_alloc : memref<!tpu.dma_semaphore, #tpu.memory_space<semaphore_mem>>
      %dma_start3A = arith.constant 0 : i32
      %dma_start3A_35 = arith.constant 0 : i32
      %dma_start3A_36 = tpu.memref_slice %arg6[%dma_start3A, %dma_start3A_35] : memref<64x16xf32, #tpu.memory_space<vmem>> -> memref<64x16xf32, #tpu.memory_space<vmem>>
      %dma_start3A_37 = arith.constant 0 : i32
      %dma_start3A_38 = tpu.memref_slice %arg7[%add3A_11, %dma_start3A_37] : memref<10240x16xf32, #tpu.memory_space<vmem_shared>> -> memref<64x16xf32, #tpu.memory_space<vmem_shared>>
      %dma_start3A_39 = arith.constant 0 : i32
      %dma_start3A_40 = tpu.memref_slice %arg7[%add3A_11, %dma_start3A_39] : memref<10240x16xf32, #tpu.memory_space<vmem_shared>> -> memref<64x16xf32, #tpu.memory_space<vmem_shared>>
      %dma_start3A_41 = arith.constant 0 : i32
      %dma_start3A_42 = arith.constant 0 : i32
      %dma_start3A_43 = tpu.memref_slice %arg6[%dma_start3A_41, %dma_start3A_42] : memref<64x16xf32, #tpu.memory_space<vmem>> -> memref<64x16xf32, #tpu.memory_space<vmem>>
      tpu.enqueue_dma source(%dma_start3A_43 : memref<64x16xf32, #tpu.memory_space<vmem>>) target(%dma_start3A_40 : memref<64x16xf32, #tpu.memory_space<vmem_shared>>) target_semaphore(%run_scoped3A : memref<!tpu.dma_semaphore, #tpu.memory_space<semaphore_mem>>)
      %dma_wait3A = arith.constant 0 : i32
      %dma_wait3A_44 = arith.constant 0 : i32
      %dma_wait3A_45 = tpu.memref_slice %arg6[%dma_wait3A, %dma_wait3A_44] : memref<64x16xf32, #tpu.memory_space<vmem>> -> memref<64x16xf32, #tpu.memory_space<vmem>>
      %dma_wait3A_46 = arith.constant 0 : i32
      %dma_wait3A_47 = tpu.memref_slice %arg7[%add3A_11, %dma_wait3A_46] : memref<10240x16xf32, #tpu.memory_space<vmem_shared>> -> memref<64x16xf32, #tpu.memory_space<vmem_shared>>
      %dma_wait3A_48 = arith.constant 0 : i32
      %dma_wait3A_49 = tpu.memref_slice %arg7[%add3A_11, %dma_wait3A_48] : memref<10240x16xf32, #tpu.memory_space<vmem_shared>> -> memref<64x16xf32, #tpu.memory_space<vmem_shared>>
      %dma_wait3A_50 = arith.constant 0 : i32
      %dma_wait3A_51 = arith.constant 0 : i32
      %dma_wait3A_52 = tpu.memref_slice %arg6[%dma_wait3A_50, %dma_wait3A_51] : memref<64x16xf32, #tpu.memory_space<vmem>> -> memref<64x16xf32, #tpu.memory_space<vmem>>
      tpu.wait_dma2 semaphore(%run_scoped3A : memref<!tpu.dma_semaphore, #tpu.memory_space<semaphore_mem>>) src(%dma_wait3A_52 : memref<64x16xf32, #tpu.memory_space<vmem>>) dst(%dma_wait3A_49 : memref<64x16xf32, #tpu.memory_space<vmem_shared>>)
      tpu.yield
    }) : () -> ()
    %add3A_12 = arith.constant 128 : i32
    %add3A_13 = arith.addi %mul3A_7, %add3A_12 : i32
    "tpu.region"() ({
      %run_scoped3A = tpu.sem_alloc : memref<!tpu.dma_semaphore, #tpu.memory_space<semaphore_mem>>
      %dma_start3A = arith.constant 0 : i32
      %dma_start3A_35 = arith.constant 0 : i32
      %dma_start3A_36 = tpu.memref_slice %arg6[%dma_start3A, %dma_start3A_35] : memref<64x16xf32, #tpu.memory_space<vmem>> -> memref<64x16xf32, #tpu.memory_space<vmem>>
      %dma_start3A_37 = arith.constant 0 : i32
      %dma_start3A_38 = tpu.memref_slice %arg7[%add3A_13, %dma_start3A_37] : memref<10240x16xf32, #tpu.memory_space<vmem_shared>> -> memref<64x16xf32, #tpu.memory_space<vmem_shared>>
      %dma_start3A_39 = arith.constant 0 : i32
      %dma_start3A_40 = tpu.memref_slice %arg7[%add3A_13, %dma_start3A_39] : memref<10240x16xf32, #tpu.memory_space<vmem_shared>> -> memref<64x16xf32, #tpu.memory_space<vmem_shared>>
      %dma_start3A_41 = arith.constant 0 : i32
      %dma_start3A_42 = arith.constant 0 : i32
      %dma_start3A_43 = tpu.memref_slice %arg6[%dma_start3A_41, %dma_start3A_42] : memref<64x16xf32, #tpu.memory_space<vmem>> -> memref<64x16xf32, #tpu.memory_space<vmem>>
      tpu.enqueue_dma source(%dma_start3A_43 : memref<64x16xf32, #tpu.memory_space<vmem>>) target(%dma_start3A_40 : memref<64x16xf32, #tpu.memory_space<vmem_shared>>) target_semaphore(%run_scoped3A : memref<!tpu.dma_semaphore, #tpu.memory_space<semaphore_mem>>)
      %dma_wait3A = arith.constant 0 : i32
      %dma_wait3A_44 = arith.constant 0 : i32
      %dma_wait3A_45 = tpu.memref_slice %arg6[%dma_wait3A, %dma_wait3A_44] : memref<64x16xf32, #tpu.memory_space<vmem>> -> memref<64x16xf32, #tpu.memory_space<vmem>>
      %dma_wait3A_46 = arith.constant 0 : i32
      %dma_wait3A_47 = tpu.memref_slice %arg7[%add3A_13, %dma_wait3A_46] : memref<10240x16xf32, #tpu.memory_space<vmem_shared>> -> memref<64x16xf32, #tpu.memory_space<vmem_shared>>
      %dma_wait3A_48 = arith.constant 0 : i32
      %dma_wait3A_49 = tpu.memref_slice %arg7[%add3A_13, %dma_wait3A_48] : memref<10240x16xf32, #tpu.memory_space<vmem_shared>> -> memref<64x16xf32, #tpu.memory_space<vmem_shared>>
      %dma_wait3A_50 = arith.constant 0 : i32
      %dma_wait3A_51 = arith.constant 0 : i32
      %dma_wait3A_52 = tpu.memref_slice %arg6[%dma_wait3A_50, %dma_wait3A_51] : memref<64x16xf32, #tpu.memory_space<vmem>> -> memref<64x16xf32, #tpu.memory_space<vmem>>
      tpu.wait_dma2 semaphore(%run_scoped3A : memref<!tpu.dma_semaphore, #tpu.memory_space<semaphore_mem>>) src(%dma_wait3A_52 : memref<64x16xf32, #tpu.memory_space<vmem>>) dst(%dma_wait3A_49 : memref<64x16xf32, #tpu.memory_space<vmem_shared>>)
      tpu.yield
    }) : () -> ()
    %add3A_14 = arith.constant 192 : i32
    %add3A_15 = arith.addi %mul3A_7, %add3A_14 : i32
    "tpu.region"() ({
      %run_scoped3A = tpu.sem_alloc : memref<!tpu.dma_semaphore, #tpu.memory_space<semaphore_mem>>
      %dma_start3A = arith.constant 0 : i32
      %dma_start3A_35 = arith.constant 0 : i32
      %dma_start3A_36 = tpu.memref_slice %arg6[%dma_start3A, %dma_start3A_35] : memref<64x16xf32, #tpu.memory_space<vmem>> -> memref<64x16xf32, #tpu.memory_space<vmem>>
      %dma_start3A_37 = arith.constant 0 : i32
      %dma_start3A_38 = tpu.memref_slice %arg7[%add3A_15, %dma_start3A_37] : memref<10240x16xf32, #tpu.memory_space<vmem_shared>> -> memref<64x16xf32, #tpu.memory_space<vmem_shared>>
      %dma_start3A_39 = arith.constant 0 : i32
      %dma_start3A_40 = tpu.memref_slice %arg7[%add3A_15, %dma_start3A_39] : memref<10240x16xf32, #tpu.memory_space<vmem_shared>> -> memref<64x16xf32, #tpu.memory_space<vmem_shared>>
      %dma_start3A_41 = arith.constant 0 : i32
      %dma_start3A_42 = arith.constant 0 : i32
      %dma_start3A_43 = tpu.memref_slice %arg6[%dma_start3A_41, %dma_start3A_42] : memref<64x16xf32, #tpu.memory_space<vmem>> -> memref<64x16xf32, #tpu.memory_space<vmem>>
      tpu.enqueue_dma source(%dma_start3A_43 : memref<64x16xf32, #tpu.memory_space<vmem>>) target(%dma_start3A_40 : memref<64x16xf32, #tpu.memory_space<vmem_shared>>) target_semaphore(%run_scoped3A : memref<!tpu.dma_semaphore, #tpu.memory_space<semaphore_mem>>)
      %dma_wait3A = arith.constant 0 : i32
      %dma_wait3A_44 = arith.constant 0 : i32
      %dma_wait3A_45 = tpu.memref_slice %arg6[%dma_wait3A, %dma_wait3A_44] : memref<64x16xf32, #tpu.memory_space<vmem>> -> memref<64x16xf32, #tpu.memory_space<vmem>>
      %dma_wait3A_46 = arith.constant 0 : i32
      %dma_wait3A_47 = tpu.memref_slice %arg7[%add3A_15, %dma_wait3A_46] : memref<10240x16xf32, #tpu.memory_space<vmem_shared>> -> memref<64x16xf32, #tpu.memory_space<vmem_shared>>
      %dma_wait3A_48 = arith.constant 0 : i32
      %dma_wait3A_49 = tpu.memref_slice %arg7[%add3A_15, %dma_wait3A_48] : memref<10240x16xf32, #tpu.memory_space<vmem_shared>> -> memref<64x16xf32, #tpu.memory_space<vmem_shared>>
      %dma_wait3A_50 = arith.constant 0 : i32
      %dma_wait3A_51 = arith.constant 0 : i32
      %dma_wait3A_52 = tpu.memref_slice %arg6[%dma_wait3A_50, %dma_wait3A_51] : memref<64x16xf32, #tpu.memory_space<vmem>> -> memref<64x16xf32, #tpu.memory_space<vmem>>
      tpu.wait_dma2 semaphore(%run_scoped3A : memref<!tpu.dma_semaphore, #tpu.memory_space<semaphore_mem>>) src(%dma_wait3A_52 : memref<64x16xf32, #tpu.memory_space<vmem>>) dst(%dma_wait3A_49 : memref<64x16xf32, #tpu.memory_space<vmem_shared>>)
      tpu.yield
    }) : () -> ()
    %add3A_16 = arith.constant 256 : i32
    %add3A_17 = arith.addi %mul3A_7, %add3A_16 : i32
    "tpu.region"() ({
      %run_scoped3A = tpu.sem_alloc : memref<!tpu.dma_semaphore, #tpu.memory_space<semaphore_mem>>
      %dma_start3A = arith.constant 0 : i32
      %dma_start3A_35 = arith.constant 0 : i32
      %dma_start3A_36 = tpu.memref_slice %arg6[%dma_start3A, %dma_start3A_35] : memref<64x16xf32, #tpu.memory_space<vmem>> -> memref<64x16xf32, #tpu.memory_space<vmem>>
      %dma_start3A_37 = arith.constant 0 : i32
      %dma_start3A_38 = tpu.memref_slice %arg7[%add3A_17, %dma_start3A_37] : memref<10240x16xf32, #tpu.memory_space<vmem_shared>> -> memref<64x16xf32, #tpu.memory_space<vmem_shared>>
      %dma_start3A_39 = arith.constant 0 : i32
      %dma_start3A_40 = tpu.memref_slice %arg7[%add3A_17, %dma_start3A_39] : memref<10240x16xf32, #tpu.memory_space<vmem_shared>> -> memref<64x16xf32, #tpu.memory_space<vmem_shared>>
      %dma_start3A_41 = arith.constant 0 : i32
      %dma_start3A_42 = arith.constant 0 : i32
      %dma_start3A_43 = tpu.memref_slice %arg6[%dma_start3A_41, %dma_start3A_42] : memref<64x16xf32, #tpu.memory_space<vmem>> -> memref<64x16xf32, #tpu.memory_space<vmem>>
      tpu.enqueue_dma source(%dma_start3A_43 : memref<64x16xf32, #tpu.memory_space<vmem>>) target(%dma_start3A_40 : memref<64x16xf32, #tpu.memory_space<vmem_shared>>) target_semaphore(%run_scoped3A : memref<!tpu.dma_semaphore, #tpu.memory_space<semaphore_mem>>)
      %dma_wait3A = arith.constant 0 : i32
      %dma_wait3A_44 = arith.constant 0 : i32
      %dma_wait3A_45 = tpu.memref_slice %arg6[%dma_wait3A, %dma_wait3A_44] : memref<64x16xf32, #tpu.memory_space<vmem>> -> memref<64x16xf32, #tpu.memory_space<vmem>>
      %dma_wait3A_46 = arith.constant 0 : i32
      %dma_wait3A_47 = tpu.memref_slice %arg7[%add3A_17, %dma_wait3A_46] : memref<10240x16xf32, #tpu.memory_space<vmem_shared>> -> memref<64x16xf32, #tpu.memory_space<vmem_shared>>
      %dma_wait3A_48 = arith.constant 0 : i32
      %dma_wait3A_49 = tpu.memref_slice %arg7[%add3A_17, %dma_wait3A_48] : memref<10240x16xf32, #tpu.memory_space<vmem_shared>> -> memref<64x16xf32, #tpu.memory_space<vmem_shared>>
      %dma_wait3A_50 = arith.constant 0 : i32
      %dma_wait3A_51 = arith.constant 0 : i32
      %dma_wait3A_52 = tpu.memref_slice %arg6[%dma_wait3A_50, %dma_wait3A_51] : memref<64x16xf32, #tpu.memory_space<vmem>> -> memref<64x16xf32, #tpu.memory_space<vmem>>
      tpu.wait_dma2 semaphore(%run_scoped3A : memref<!tpu.dma_semaphore, #tpu.memory_space<semaphore_mem>>) src(%dma_wait3A_52 : memref<64x16xf32, #tpu.memory_space<vmem>>) dst(%dma_wait3A_49 : memref<64x16xf32, #tpu.memory_space<vmem_shared>>)
      tpu.yield
    }) : () -> ()
    %add3A_18 = arith.constant 320 : i32
    %add3A_19 = arith.addi %mul3A_7, %add3A_18 : i32
    "tpu.region"() ({
      %run_scoped3A = tpu.sem_alloc : memref<!tpu.dma_semaphore, #tpu.memory_space<semaphore_mem>>
      %dma_start3A = arith.constant 0 : i32
      %dma_start3A_35 = arith.constant 0 : i32
      %dma_start3A_36 = tpu.memref_slice %arg6[%dma_start3A, %dma_start3A_35] : memref<64x16xf32, #tpu.memory_space<vmem>> -> memref<64x16xf32, #tpu.memory_space<vmem>>
      %dma_start3A_37 = arith.constant 0 : i32
      %dma_start3A_38 = tpu.memref_slice %arg7[%add3A_19, %dma_start3A_37] : memref<10240x16xf32, #tpu.memory_space<vmem_shared>> -> memref<64x16xf32, #tpu.memory_space<vmem_shared>>
      %dma_start3A_39 = arith.constant 0 : i32
      %dma_start3A_40 = tpu.memref_slice %arg7[%add3A_19, %dma_start3A_39] : memref<10240x16xf32, #tpu.memory_space<vmem_shared>> -> memref<64x16xf32, #tpu.memory_space<vmem_shared>>
      %dma_start3A_41 = arith.constant 0 : i32
      %dma_start3A_42 = arith.constant 0 : i32
      %dma_start3A_43 = tpu.memref_slice %arg6[%dma_start3A_41, %dma_start3A_42] : memref<64x16xf32, #tpu.memory_space<vmem>> -> memref<64x16xf32, #tpu.memory_space<vmem>>
      tpu.enqueue_dma source(%dma_start3A_43 : memref<64x16xf32, #tpu.memory_space<vmem>>) target(%dma_start3A_40 : memref<64x16xf32, #tpu.memory_space<vmem_shared>>) target_semaphore(%run_scoped3A : memref<!tpu.dma_semaphore, #tpu.memory_space<semaphore_mem>>)
      %dma_wait3A = arith.constant 0 : i32
      %dma_wait3A_44 = arith.constant 0 : i32
      %dma_wait3A_45 = tpu.memref_slice %arg6[%dma_wait3A, %dma_wait3A_44] : memref<64x16xf32, #tpu.memory_space<vmem>> -> memref<64x16xf32, #tpu.memory_space<vmem>>
      %dma_wait3A_46 = arith.constant 0 : i32
      %dma_wait3A_47 = tpu.memref_slice %arg7[%add3A_19, %dma_wait3A_46] : memref<10240x16xf32, #tpu.memory_space<vmem_shared>> -> memref<64x16xf32, #tpu.memory_space<vmem_shared>>
      %dma_wait3A_48 = arith.constant 0 : i32
      %dma_wait3A_49 = tpu.memref_slice %arg7[%add3A_19, %dma_wait3A_48] : memref<10240x16xf32, #tpu.memory_space<vmem_shared>> -> memref<64x16xf32, #tpu.memory_space<vmem_shared>>
      %dma_wait3A_50 = arith.constant 0 : i32
      %dma_wait3A_51 = arith.constant 0 : i32
      %dma_wait3A_52 = tpu.memref_slice %arg6[%dma_wait3A_50, %dma_wait3A_51] : memref<64x16xf32, #tpu.memory_space<vmem>> -> memref<64x16xf32, #tpu.memory_space<vmem>>
      tpu.wait_dma2 semaphore(%run_scoped3A : memref<!tpu.dma_semaphore, #tpu.memory_space<semaphore_mem>>) src(%dma_wait3A_52 : memref<64x16xf32, #tpu.memory_space<vmem>>) dst(%dma_wait3A_49 : memref<64x16xf32, #tpu.memory_space<vmem_shared>>)
      tpu.yield
    }) : () -> ()
    %add3A_20 = arith.constant 384 : i32
    %add3A_21 = arith.addi %mul3A_7, %add3A_20 : i32
    "tpu.region"() ({
      %run_scoped3A = tpu.sem_alloc : memref<!tpu.dma_semaphore, #tpu.memory_space<semaphore_mem>>
      %dma_start3A = arith.constant 0 : i32
      %dma_start3A_35 = arith.constant 0 : i32
      %dma_start3A_36 = tpu.memref_slice %arg6[%dma_start3A, %dma_start3A_35] : memref<64x16xf32, #tpu.memory_space<vmem>> -> memref<64x16xf32, #tpu.memory_space<vmem>>
      %dma_start3A_37 = arith.constant 0 : i32
      %dma_start3A_38 = tpu.memref_slice %arg7[%add3A_21, %dma_start3A_37] : memref<10240x16xf32, #tpu.memory_space<vmem_shared>> -> memref<64x16xf32, #tpu.memory_space<vmem_shared>>
      %dma_start3A_39 = arith.constant 0 : i32
      %dma_start3A_40 = tpu.memref_slice %arg7[%add3A_21, %dma_start3A_39] : memref<10240x16xf32, #tpu.memory_space<vmem_shared>> -> memref<64x16xf32, #tpu.memory_space<vmem_shared>>
      %dma_start3A_41 = arith.constant 0 : i32
      %dma_start3A_42 = arith.constant 0 : i32
      %dma_start3A_43 = tpu.memref_slice %arg6[%dma_start3A_41, %dma_start3A_42] : memref<64x16xf32, #tpu.memory_space<vmem>> -> memref<64x16xf32, #tpu.memory_space<vmem>>
      tpu.enqueue_dma source(%dma_start3A_43 : memref<64x16xf32, #tpu.memory_space<vmem>>) target(%dma_start3A_40 : memref<64x16xf32, #tpu.memory_space<vmem_shared>>) target_semaphore(%run_scoped3A : memref<!tpu.dma_semaphore, #tpu.memory_space<semaphore_mem>>)
      %dma_wait3A = arith.constant 0 : i32
      %dma_wait3A_44 = arith.constant 0 : i32
      %dma_wait3A_45 = tpu.memref_slice %arg6[%dma_wait3A, %dma_wait3A_44] : memref<64x16xf32, #tpu.memory_space<vmem>> -> memref<64x16xf32, #tpu.memory_space<vmem>>
      %dma_wait3A_46 = arith.constant 0 : i32
      %dma_wait3A_47 = tpu.memref_slice %arg7[%add3A_21, %dma_wait3A_46] : memref<10240x16xf32, #tpu.memory_space<vmem_shared>> -> memref<64x16xf32, #tpu.memory_space<vmem_shared>>
      %dma_wait3A_48 = arith.constant 0 : i32
      %dma_wait3A_49 = tpu.memref_slice %arg7[%add3A_21, %dma_wait3A_48] : memref<10240x16xf32, #tpu.memory_space<vmem_shared>> -> memref<64x16xf32, #tpu.memory_space<vmem_shared>>
      %dma_wait3A_50 = arith.constant 0 : i32
      %dma_wait3A_51 = arith.constant 0 : i32
      %dma_wait3A_52 = tpu.memref_slice %arg6[%dma_wait3A_50, %dma_wait3A_51] : memref<64x16xf32, #tpu.memory_space<vmem>> -> memref<64x16xf32, #tpu.memory_space<vmem>>
      tpu.wait_dma2 semaphore(%run_scoped3A : memref<!tpu.dma_semaphore, #tpu.memory_space<semaphore_mem>>) src(%dma_wait3A_52 : memref<64x16xf32, #tpu.memory_space<vmem>>) dst(%dma_wait3A_49 : memref<64x16xf32, #tpu.memory_space<vmem_shared>>)
      tpu.yield
    }) : () -> ()
    %add3A_22 = arith.constant 448 : i32
    %add3A_23 = arith.addi %mul3A_7, %add3A_22 : i32
    "tpu.region"() ({
      %run_scoped3A = tpu.sem_alloc : memref<!tpu.dma_semaphore, #tpu.memory_space<semaphore_mem>>
      %dma_start3A = arith.constant 0 : i32
      %dma_start3A_35 = arith.constant 0 : i32
      %dma_start3A_36 = tpu.memref_slice %arg6[%dma_start3A, %dma_start3A_35] : memref<64x16xf32, #tpu.memory_space<vmem>> -> memref<64x16xf32, #tpu.memory_space<vmem>>
      %dma_start3A_37 = arith.constant 0 : i32
      %dma_start3A_38 = tpu.memref_slice %arg7[%add3A_23, %dma_start3A_37] : memref<10240x16xf32, #tpu.memory_space<vmem_shared>> -> memref<64x16xf32, #tpu.memory_space<vmem_shared>>
      %dma_start3A_39 = arith.constant 0 : i32
      %dma_start3A_40 = tpu.memref_slice %arg7[%add3A_23, %dma_start3A_39] : memref<10240x16xf32, #tpu.memory_space<vmem_shared>> -> memref<64x16xf32, #tpu.memory_space<vmem_shared>>
      %dma_start3A_41 = arith.constant 0 : i32
      %dma_start3A_42 = arith.constant 0 : i32
      %dma_start3A_43 = tpu.memref_slice %arg6[%dma_start3A_41, %dma_start3A_42] : memref<64x16xf32, #tpu.memory_space<vmem>> -> memref<64x16xf32, #tpu.memory_space<vmem>>
      tpu.enqueue_dma source(%dma_start3A_43 : memref<64x16xf32, #tpu.memory_space<vmem>>) target(%dma_start3A_40 : memref<64x16xf32, #tpu.memory_space<vmem_shared>>) target_semaphore(%run_scoped3A : memref<!tpu.dma_semaphore, #tpu.memory_space<semaphore_mem>>)
      %dma_wait3A = arith.constant 0 : i32
      %dma_wait3A_44 = arith.constant 0 : i32
      %dma_wait3A_45 = tpu.memref_slice %arg6[%dma_wait3A, %dma_wait3A_44] : memref<64x16xf32, #tpu.memory_space<vmem>> -> memref<64x16xf32, #tpu.memory_space<vmem>>
      %dma_wait3A_46 = arith.constant 0 : i32
      %dma_wait3A_47 = tpu.memref_slice %arg7[%add3A_23, %dma_wait3A_46] : memref<10240x16xf32, #tpu.memory_space<vmem_shared>> -> memref<64x16xf32, #tpu.memory_space<vmem_shared>>
      %dma_wait3A_48 = arith.constant 0 : i32
      %dma_wait3A_49 = tpu.memref_slice %arg7[%add3A_23, %dma_wait3A_48] : memref<10240x16xf32, #tpu.memory_space<vmem_shared>> -> memref<64x16xf32, #tpu.memory_space<vmem_shared>>
      %dma_wait3A_50 = arith.constant 0 : i32
      %dma_wait3A_51 = arith.constant 0 : i32
      %dma_wait3A_52 = tpu.memref_slice %arg6[%dma_wait3A_50, %dma_wait3A_51] : memref<64x16xf32, #tpu.memory_space<vmem>> -> memref<64x16xf32, #tpu.memory_space<vmem>>
      tpu.wait_dma2 semaphore(%run_scoped3A : memref<!tpu.dma_semaphore, #tpu.memory_space<semaphore_mem>>) src(%dma_wait3A_52 : memref<64x16xf32, #tpu.memory_space<vmem>>) dst(%dma_wait3A_49 : memref<64x16xf32, #tpu.memory_space<vmem_shared>>)
      tpu.yield
    }) : () -> ()
    %add3A_24 = arith.constant 512 : i32
    %add3A_25 = arith.addi %mul3A_7, %add3A_24 : i32
    "tpu.region"() ({
      %run_scoped3A = tpu.sem_alloc : memref<!tpu.dma_semaphore, #tpu.memory_space<semaphore_mem>>
      %dma_start3A = arith.constant 0 : i32
      %dma_start3A_35 = arith.constant 0 : i32
      %dma_start3A_36 = tpu.memref_slice %arg6[%dma_start3A, %dma_start3A_35] : memref<64x16xf32, #tpu.memory_space<vmem>> -> memref<64x16xf32, #tpu.memory_space<vmem>>
      %dma_start3A_37 = arith.constant 0 : i32
      %dma_start3A_38 = tpu.memref_slice %arg7[%add3A_25, %dma_start3A_37] : memref<10240x16xf32, #tpu.memory_space<vmem_shared>> -> memref<64x16xf32, #tpu.memory_space<vmem_shared>>
      %dma_start3A_39 = arith.constant 0 : i32
      %dma_start3A_40 = tpu.memref_slice %arg7[%add3A_25, %dma_start3A_39] : memref<10240x16xf32, #tpu.memory_space<vmem_shared>> -> memref<64x16xf32, #tpu.memory_space<vmem_shared>>
      %dma_start3A_41 = arith.constant 0 : i32
      %dma_start3A_42 = arith.constant 0 : i32
      %dma_start3A_43 = tpu.memref_slice %arg6[%dma_start3A_41, %dma_start3A_42] : memref<64x16xf32, #tpu.memory_space<vmem>> -> memref<64x16xf32, #tpu.memory_space<vmem>>
      tpu.enqueue_dma source(%dma_start3A_43 : memref<64x16xf32, #tpu.memory_space<vmem>>) target(%dma_start3A_40 : memref<64x16xf32, #tpu.memory_space<vmem_shared>>) target_semaphore(%run_scoped3A : memref<!tpu.dma_semaphore, #tpu.memory_space<semaphore_mem>>)
      %dma_wait3A = arith.constant 0 : i32
      %dma_wait3A_44 = arith.constant 0 : i32
      %dma_wait3A_45 = tpu.memref_slice %arg6[%dma_wait3A, %dma_wait3A_44] : memref<64x16xf32, #tpu.memory_space<vmem>> -> memref<64x16xf32, #tpu.memory_space<vmem>>
      %dma_wait3A_46 = arith.constant 0 : i32
      %dma_wait3A_47 = tpu.memref_slice %arg7[%add3A_25, %dma_wait3A_46] : memref<10240x16xf32, #tpu.memory_space<vmem_shared>> -> memref<64x16xf32, #tpu.memory_space<vmem_shared>>
      %dma_wait3A_48 = arith.constant 0 : i32
      %dma_wait3A_49 = tpu.memref_slice %arg7[%add3A_25, %dma_wait3A_48] : memref<10240x16xf32, #tpu.memory_space<vmem_shared>> -> memref<64x16xf32, #tpu.memory_space<vmem_shared>>
      %dma_wait3A_50 = arith.constant 0 : i32
      %dma_wait3A_51 = arith.constant 0 : i32
      %dma_wait3A_52 = tpu.memref_slice %arg6[%dma_wait3A_50, %dma_wait3A_51] : memref<64x16xf32, #tpu.memory_space<vmem>> -> memref<64x16xf32, #tpu.memory_space<vmem>>
      tpu.wait_dma2 semaphore(%run_scoped3A : memref<!tpu.dma_semaphore, #tpu.memory_space<semaphore_mem>>) src(%dma_wait3A_52 : memref<64x16xf32, #tpu.memory_space<vmem>>) dst(%dma_wait3A_49 : memref<64x16xf32, #tpu.memory_space<vmem_shared>>)
      tpu.yield
    }) : () -> ()
    %add3A_26 = arith.constant 576 : i32
    %add3A_27 = arith.addi %mul3A_7, %add3A_26 : i32
    "tpu.region"() ({
      %run_scoped3A = tpu.sem_alloc : memref<!tpu.dma_semaphore, #tpu.memory_space<semaphore_mem>>
      %dma_start3A = arith.constant 0 : i32
      %dma_start3A_35 = arith.constant 0 : i32
      %dma_start3A_36 = tpu.memref_slice %arg6[%dma_start3A, %dma_start3A_35] : memref<64x16xf32, #tpu.memory_space<vmem>> -> memref<64x16xf32, #tpu.memory_space<vmem>>
      %dma_start3A_37 = arith.constant 0 : i32
      %dma_start3A_38 = tpu.memref_slice %arg7[%add3A_27, %dma_start3A_37] : memref<10240x16xf32, #tpu.memory_space<vmem_shared>> -> memref<64x16xf32, #tpu.memory_space<vmem_shared>>
      %dma_start3A_39 = arith.constant 0 : i32
      %dma_start3A_40 = tpu.memref_slice %arg7[%add3A_27, %dma_start3A_39] : memref<10240x16xf32, #tpu.memory_space<vmem_shared>> -> memref<64x16xf32, #tpu.memory_space<vmem_shared>>
      %dma_start3A_41 = arith.constant 0 : i32
      %dma_start3A_42 = arith.constant 0 : i32
      %dma_start3A_43 = tpu.memref_slice %arg6[%dma_start3A_41, %dma_start3A_42] : memref<64x16xf32, #tpu.memory_space<vmem>> -> memref<64x16xf32, #tpu.memory_space<vmem>>
      tpu.enqueue_dma source(%dma_start3A_43 : memref<64x16xf32, #tpu.memory_space<vmem>>) target(%dma_start3A_40 : memref<64x16xf32, #tpu.memory_space<vmem_shared>>) target_semaphore(%run_scoped3A : memref<!tpu.dma_semaphore, #tpu.memory_space<semaphore_mem>>)
      %dma_wait3A = arith.constant 0 : i32
      %dma_wait3A_44 = arith.constant 0 : i32
      %dma_wait3A_45 = tpu.memref_slice %arg6[%dma_wait3A, %dma_wait3A_44] : memref<64x16xf32, #tpu.memory_space<vmem>> -> memref<64x16xf32, #tpu.memory_space<vmem>>
      %dma_wait3A_46 = arith.constant 0 : i32
      %dma_wait3A_47 = tpu.memref_slice %arg7[%add3A_27, %dma_wait3A_46] : memref<10240x16xf32, #tpu.memory_space<vmem_shared>> -> memref<64x16xf32, #tpu.memory_space<vmem_shared>>
      %dma_wait3A_48 = arith.constant 0 : i32
      %dma_wait3A_49 = tpu.memref_slice %arg7[%add3A_27, %dma_wait3A_48] : memref<10240x16xf32, #tpu.memory_space<vmem_shared>> -> memref<64x16xf32, #tpu.memory_space<vmem_shared>>
      %dma_wait3A_50 = arith.constant 0 : i32
      %dma_wait3A_51 = arith.constant 0 : i32
      %dma_wait3A_52 = tpu.memref_slice %arg6[%dma_wait3A_50, %dma_wait3A_51] : memref<64x16xf32, #tpu.memory_space<vmem>> -> memref<64x16xf32, #tpu.memory_space<vmem>>
      tpu.wait_dma2 semaphore(%run_scoped3A : memref<!tpu.dma_semaphore, #tpu.memory_space<semaphore_mem>>) src(%dma_wait3A_52 : memref<64x16xf32, #tpu.memory_space<vmem>>) dst(%dma_wait3A_49 : memref<64x16xf32, #tpu.memory_space<vmem_shared>>)
      tpu.yield
    }) : () -> ()
    "tpu.region"() ({
      %run_scoped3A = tpu.sem_alloc : memref<!tpu.dma_semaphore, #tpu.memory_space<semaphore_mem>>
      %dma_start3A = arith.constant 0 : i32
      %dma_start3A_35 = arith.constant 0 : i32
      %dma_start3A_36 = tpu.memref_slice %arg2[%add3A, %dma_start3A, %dma_start3A_35] : memref<32x96x112xi32, #tpu.memory_space<hbm>> -> memref<1x96x112xi32, #tpu.memory_space<hbm>>
      %dma_start3A_37 = tpu.memref_squeeze %dma_start3A_36 : memref<1x96x112xi32, #tpu.memory_space<hbm>> -> memref<96x112xi32, #tpu.memory_space<hbm>>
      %dma_start3A_38 = arith.constant 0 : i32
      %dma_start3A_39 = arith.constant 0 : i32
      %dma_start3A_40 = tpu.memref_slice %arg2[%add3A, %dma_start3A_38, %dma_start3A_39] : memref<32x96x112xi32, #tpu.memory_space<hbm>> -> memref<1x96x112xi32, #tpu.memory_space<hbm>>
      %dma_start3A_41 = tpu.memref_squeeze %dma_start3A_40 : memref<1x96x112xi32, #tpu.memory_space<hbm>> -> memref<96x112xi32, #tpu.memory_space<hbm>>
      tpu.enqueue_dma source(%dma_start3A_41 : memref<96x112xi32, #tpu.memory_space<hbm>>) target(%arg4 : memref<96x112xi32, #tpu.memory_space<vmem>>) target_semaphore(%run_scoped3A : memref<!tpu.dma_semaphore, #tpu.memory_space<semaphore_mem>>)
      %dma_wait3A = arith.constant 0 : i32
      %dma_wait3A_42 = arith.constant 0 : i32
      %dma_wait3A_43 = tpu.memref_slice %arg2[%add3A, %dma_wait3A, %dma_wait3A_42] : memref<32x96x112xi32, #tpu.memory_space<hbm>> -> memref<1x96x112xi32, #tpu.memory_space<hbm>>
      %dma_wait3A_44 = tpu.memref_squeeze %dma_wait3A_43 : memref<1x96x112xi32, #tpu.memory_space<hbm>> -> memref<96x112xi32, #tpu.memory_space<hbm>>
      %dma_wait3A_45 = arith.constant 0 : i32
      %dma_wait3A_46 = arith.constant 0 : i32
      %dma_wait3A_47 = tpu.memref_slice %arg2[%add3A, %dma_wait3A_45, %dma_wait3A_46] : memref<32x96x112xi32, #tpu.memory_space<hbm>> -> memref<1x96x112xi32, #tpu.memory_space<hbm>>
      %dma_wait3A_48 = tpu.memref_squeeze %dma_wait3A_47 : memref<1x96x112xi32, #tpu.memory_space<hbm>> -> memref<96x112xi32, #tpu.memory_space<hbm>>
      tpu.wait_dma2 semaphore(%run_scoped3A : memref<!tpu.dma_semaphore, #tpu.memory_space<semaphore_mem>>) src(%dma_wait3A_48 : memref<96x112xi32, #tpu.memory_space<hbm>>) dst(%arg4 : memref<96x112xi32, #tpu.memory_space<vmem>>)
      tpu.yield
    }) : () -> ()
    %barrier3A = arith.constant 0 : index
    tpu.barrier barrier_id(%barrier3A)
    %scan3A_28 = arith.constant 0 : i32
    %scan3A_29 = arith.constant 0 : i32
    %scan3A_30 = arith.constant 90 : i32
    %scan3A_31 = arith.addi %scan3A_29, %scan3A_30 : i32
    %scan3A_32 = arith.constant 1 : i32
    scf.for %scan3A_35 = %scan3A_29 to %scan3A_31 step %scan3A_32  : i32 {
      "tpu.region"() ({
        %run_scoped3A = tpu.sem_alloc : memref<!tpu.dma_semaphore, #tpu.memory_space<semaphore_mem>>
        %dma_start3A = arith.constant 0 : i32
        %dma_start3A_36 = tpu.memref_slice %arg4[%scan3A_35, %dma_start3A] : memref<96x112xi32, #tpu.memory_space<vmem>> -> memref<1x112xi32, #tpu.memory_space<vmem>>
        %dma_start3A_37 = tpu.memref_squeeze %dma_start3A_36 : memref<1x112xi32, #tpu.memory_space<vmem>> -> memref<112xi32, #tpu.memory_space<vmem>>
        %dma_start3A_38 = arith.constant 0 : i32
        %dma_start3A_39 = arith.constant 0 : i32
        %dma_start3A_40 = tpu.memref_slice %arg7[%dma_start3A_38, %dma_start3A_39] : memref<10240x16xf32, #tpu.memory_space<vmem_shared>> -> memref<10240x16xf32, #tpu.memory_space<vmem_shared>>
        tpu.enqueue_indirect_dma source(%arg5 : memref<112x16xf32, #tpu.memory_space<vmem>>) target(%dma_start3A_40 : memref<10240x16xf32, #tpu.memory_space<vmem_shared>>) offsets(%dma_start3A_37 : memref<112xi32, #tpu.memory_space<vmem>>) semaphore(%run_scoped3A : memref<!tpu.dma_semaphore, #tpu.memory_space<semaphore_mem>>) {add = true}
        %dma_wait3A = arith.constant 0 : i32
        %dma_wait3A_41 = tpu.memref_slice %arg4[%scan3A_35, %dma_wait3A] : memref<96x112xi32, #tpu.memory_space<vmem>> -> memref<1x112xi32, #tpu.memory_space<vmem>>
        %dma_wait3A_42 = tpu.memref_squeeze %dma_wait3A_41 : memref<1x112xi32, #tpu.memory_space<vmem>> -> memref<112xi32, #tpu.memory_space<vmem>>
        %dma_wait3A_43 = arith.constant 0 : i32
        %dma_wait3A_44 = arith.constant 0 : i32
        %dma_wait3A_45 = tpu.memref_slice %arg7[%dma_wait3A_43, %dma_wait3A_44] : memref<10240x16xf32, #tpu.memory_space<vmem_shared>> -> memref<10240x16xf32, #tpu.memory_space<vmem_shared>>
        tpu.wait_indirect_dma semaphore(%run_scoped3A : memref<!tpu.dma_semaphore, #tpu.memory_space<semaphore_mem>>) src(%arg5 : memref<112x16xf32, #tpu.memory_space<vmem>>) dst(%dma_wait3A_45 : memref<10240x16xf32, #tpu.memory_space<vmem_shared>>)
        tpu.yield
      }) : () -> ()
    }
    %scan3A_33 = arith.constant 90 : i32
    %barrier3A_34 = arith.constant 0 : index
    tpu.barrier barrier_id(%barrier3A_34)
    "tpu.region"() ({
      %run_scoped3A = tpu.sem_alloc : memref<!tpu.dma_semaphore, #tpu.memory_space<semaphore_mem>>
      %dma_start3A = arith.constant 0 : i32
      %dma_start3A_35 = tpu.memref_slice %arg3[%arg0, %mul3A_7, %dma_start3A] : memref<2x10240x16xf32, #tpu.memory_space<hbm>> -> memref<1x640x16xf32, #tpu.memory_space<hbm>>
      %dma_start3A_36 = tpu.memref_squeeze %dma_start3A_35 : memref<1x640x16xf32, #tpu.memory_space<hbm>> -> memref<640x16xf32, #tpu.memory_space<hbm>>
      %dma_start3A_37 = arith.constant 0 : i32
      %dma_start3A_38 = tpu.memref_slice %arg7[%mul3A_7, %dma_start3A_37] : memref<10240x16xf32, #tpu.memory_space<vmem_shared>> -> memref<640x16xf32, #tpu.memory_space<vmem_shared>>
      tpu.enqueue_dma source(%dma_start3A_38 : memref<640x16xf32, #tpu.memory_space<vmem_shared>>) target(%dma_start3A_36 : memref<640x16xf32, #tpu.memory_space<hbm>>) target_semaphore(%run_scoped3A : memref<!tpu.dma_semaphore, #tpu.memory_space<semaphore_mem>>)
      %dma_wait3A = arith.constant 0 : i32
      %dma_wait3A_39 = tpu.memref_slice %arg3[%arg0, %mul3A_7, %dma_wait3A] : memref<2x10240x16xf32, #tpu.memory_space<hbm>> -> memref<1x640x16xf32, #tpu.memory_space<hbm>>
      %dma_wait3A_40 = tpu.memref_squeeze %dma_wait3A_39 : memref<1x640x16xf32, #tpu.memory_space<hbm>> -> memref<640x16xf32, #tpu.memory_space<hbm>>
      %dma_wait3A_41 = arith.constant 0 : i32
      %dma_wait3A_42 = tpu.memref_slice %arg7[%mul3A_7, %dma_wait3A_41] : memref<10240x16xf32, #tpu.memory_space<vmem_shared>> -> memref<640x16xf32, #tpu.memory_space<vmem_shared>>
      tpu.wait_dma2 semaphore(%run_scoped3A : memref<!tpu.dma_semaphore, #tpu.memory_space<semaphore_mem>>) src(%dma_wait3A_42 : memref<640x16xf32, #tpu.memory_space<vmem_shared>>) dst(%dma_wait3A_40 : memref<640x16xf32, #tpu.memory_space<hbm>>)
      tpu.yield
    }) : () -> ()
    return
  }
}

#map = affine_map<(d0, d1) -> (0, 0, 0)>
#map1 = affine_map<(d0, d1) -> (0, 0)>
module attributes {stable_mosaic.version = 14 : i64} {
  func.func @agg_kernel(%arg0: i32, %arg1: i32, %arg2: memref<32x96x112xi32, #tpu.memory_space<hbm>>, %arg3: memref<32x96x112xi32, #tpu.memory_space<hbm>>, %arg4: memref<10000x128xf32, #tpu.memory_space<hbm>>, %arg5: memref<2x10112x128xf32, #tpu.memory_space<hbm>>, %arg6: memref<2x8x112xi32, #tpu.memory_space<vmem>>, %arg7: memref<2x8x112xi32, #tpu.memory_space<vmem>>, %arg8: memref<112x128xf32, #tpu.memory_space<vmem>>, %arg9: memref<112x128xf32, #tpu.memory_space<vmem>>, %arg10: memref<112x128xf32, #tpu.memory_space<vmem>>, %arg11: memref<10112x128xf32, #tpu.memory_space<vmem_shared>>, %arg12: memref<!tpu.dma_semaphore, #tpu.memory_space<semaphore_mem>>, %arg13: memref<!tpu.dma_semaphore, #tpu.memory_space<semaphore_mem>>, %arg14: memref<!tpu.dma_semaphore, #tpu.memory_space<semaphore_mem>>, %arg15: memref<!tpu.dma_semaphore, #tpu.memory_space<semaphore_mem>>) attributes {dimension_semantics = [#tpu.dimension_semantics<core_parallel>, #tpu.dimension_semantics<subcore_parallel>], iteration_bounds = array<i64: 2, 16>, scalar_prefetch = 0 : i64, scratch_operands = 10 : i64, tpu.core_type = #tpu.core_type<sc_vector_subcore>, window_params = [{transform_indices = #map}, {transform_indices = #map}, {transform_indices = #map1}, {transform_indices = #map}]} {
    %mul3A = arith.constant 16 : i32
    %mul3A_0 = arith.muli %arg0, %mul3A : i32
    %add3A = arith.addi %mul3A_0, %arg1 : i32
    %scan3A = arith.constant 0 : i32
    %scan3A_1 = arith.constant 0 : i32
    %scan3A_2 = arith.constant 112 : i32
    %scan3A_3 = arith.addi %scan3A_1, %scan3A_2 : i32
    %scan3A_4 = arith.constant 1 : i32
    scf.for %scan3A_67 = %scan3A_1 to %scan3A_3 step %scan3A_4  : i32 {
      %broadcast_in_dim3A = arith.constant 0.000000e+00 : f32
      %broadcast_in_dim3A_68 = vector.broadcast %broadcast_in_dim3A : f32 to vector<16xf32>
      %swap3A = arith.index_cast %scan3A_67 : i32 to index
      %swap3A_69 = arith.constant 0 : index
      %swap3A_70 = tpu.vector_load %arg8[%swap3A, %swap3A_69] {strides = array<i32>} : memref<112x128xf32, #tpu.memory_space<vmem>>, vector<1x16xf32>,
      %swap3A_71 = vector.shape_cast %swap3A_70 : vector<1x16xf32> to vector<16xf32>
      %swap3A_72 = vector.shape_cast %broadcast_in_dim3A_68 : vector<16xf32> to vector<1x16xf32>
      tpu.vector_store %arg8[%swap3A, %swap3A_69], %swap3A_72 {strides = array<i32>} : memref<112x128xf32, #tpu.memory_space<vmem>>, vector<1x16xf32>,
      %broadcast_in_dim3A_73 = arith.constant 0.000000e+00 : f32
      %broadcast_in_dim3A_74 = vector.broadcast %broadcast_in_dim3A_73 : f32 to vector<16xf32>
      %swap3A_75 = arith.index_cast %scan3A_67 : i32 to index
      %swap3A_76 = arith.constant 16 : index
      %swap3A_77 = tpu.vector_load %arg8[%swap3A_75, %swap3A_76] {strides = array<i32>} : memref<112x128xf32, #tpu.memory_space<vmem>>, vector<1x16xf32>,
      %swap3A_78 = vector.shape_cast %swap3A_77 : vector<1x16xf32> to vector<16xf32>
      %swap3A_79 = vector.shape_cast %broadcast_in_dim3A_74 : vector<16xf32> to vector<1x16xf32>
      tpu.vector_store %arg8[%swap3A_75, %swap3A_76], %swap3A_79 {strides = array<i32>} : memref<112x128xf32, #tpu.memory_space<vmem>>, vector<1x16xf32>,
      %broadcast_in_dim3A_80 = arith.constant 0.000000e+00 : f32
      %broadcast_in_dim3A_81 = vector.broadcast %broadcast_in_dim3A_80 : f32 to vector<16xf32>
      %swap3A_82 = arith.index_cast %scan3A_67 : i32 to index
      %swap3A_83 = arith.constant 32 : index
      %swap3A_84 = tpu.vector_load %arg8[%swap3A_82, %swap3A_83] {strides = array<i32>} : memref<112x128xf32, #tpu.memory_space<vmem>>, vector<1x16xf32>,
      %swap3A_85 = vector.shape_cast %swap3A_84 : vector<1x16xf32> to vector<16xf32>
      %swap3A_86 = vector.shape_cast %broadcast_in_dim3A_81 : vector<16xf32> to vector<1x16xf32>
      tpu.vector_store %arg8[%swap3A_82, %swap3A_83], %swap3A_86 {strides = array<i32>} : memref<112x128xf32, #tpu.memory_space<vmem>>, vector<1x16xf32>,
      %broadcast_in_dim3A_87 = arith.constant 0.000000e+00 : f32
      %broadcast_in_dim3A_88 = vector.broadcast %broadcast_in_dim3A_87 : f32 to vector<16xf32>
      %swap3A_89 = arith.index_cast %scan3A_67 : i32 to index
      %swap3A_90 = arith.constant 48 : index
      %swap3A_91 = tpu.vector_load %arg8[%swap3A_89, %swap3A_90] {strides = array<i32>} : memref<112x128xf32, #tpu.memory_space<vmem>>, vector<1x16xf32>,
      %swap3A_92 = vector.shape_cast %swap3A_91 : vector<1x16xf32> to vector<16xf32>
      %swap3A_93 = vector.shape_cast %broadcast_in_dim3A_88 : vector<16xf32> to vector<1x16xf32>
      tpu.vector_store %arg8[%swap3A_89, %swap3A_90], %swap3A_93 {strides = array<i32>} : memref<112x128xf32, #tpu.memory_space<vmem>>, vector<1x16xf32>,
      %broadcast_in_dim3A_94 = arith.constant 0.000000e+00 : f32
      %broadcast_in_dim3A_95 = vector.broadcast %broadcast_in_dim3A_94 : f32 to vector<16xf32>
      %swap3A_96 = arith.index_cast %scan3A_67 : i32 to index
      %swap3A_97 = arith.constant 64 : index
      %swap3A_98 = tpu.vector_load %arg8[%swap3A_96, %swap3A_97] {strides = array<i32>} : memref<112x128xf32, #tpu.memory_space<vmem>>, vector<1x16xf32>,
      %swap3A_99 = vector.shape_cast %swap3A_98 : vector<1x16xf32> to vector<16xf32>
      %swap3A_100 = vector.shape_cast %broadcast_in_dim3A_95 : vector<16xf32> to vector<1x16xf32>
      tpu.vector_store %arg8[%swap3A_96, %swap3A_97], %swap3A_100 {strides = array<i32>} : memref<112x128xf32, #tpu.memory_space<vmem>>, vector<1x16xf32>,
      %broadcast_in_dim3A_101 = arith.constant 0.000000e+00 : f32
      %broadcast_in_dim3A_102 = vector.broadcast %broadcast_in_dim3A_101 : f32 to vector<16xf32>
      %swap3A_103 = arith.index_cast %scan3A_67 : i32 to index
      %swap3A_104 = arith.constant 80 : index
      %swap3A_105 = tpu.vector_load %arg8[%swap3A_103, %swap3A_104] {strides = array<i32>} : memref<112x128xf32, #tpu.memory_space<vmem>>, vector<1x16xf32>,
      %swap3A_106 = vector.shape_cast %swap3A_105 : vector<1x16xf32> to vector<16xf32>
      %swap3A_107 = vector.shape_cast %broadcast_in_dim3A_102 : vector<16xf32> to vector<1x16xf32>
      tpu.vector_store %arg8[%swap3A_103, %swap3A_104], %swap3A_107 {strides = array<i32>} : memref<112x128xf32, #tpu.memory_space<vmem>>, vector<1x16xf32>,
      %broadcast_in_dim3A_108 = arith.constant 0.000000e+00 : f32
      %broadcast_in_dim3A_109 = vector.broadcast %broadcast_in_dim3A_108 : f32 to vector<16xf32>
      %swap3A_110 = arith.index_cast %scan3A_67 : i32 to index
      %swap3A_111 = arith.constant 96 : index
      %swap3A_112 = tpu.vector_load %arg8[%swap3A_110, %swap3A_111] {strides = array<i32>} : memref<112x128xf32, #tpu.memory_space<vmem>>, vector<1x16xf32>,
      %swap3A_113 = vector.shape_cast %swap3A_112 : vector<1x16xf32> to vector<16xf32>
      %swap3A_114 = vector.shape_cast %broadcast_in_dim3A_109 : vector<16xf32> to vector<1x16xf32>
      tpu.vector_store %arg8[%swap3A_110, %swap3A_111], %swap3A_114 {strides = array<i32>} : memref<112x128xf32, #tpu.memory_space<vmem>>, vector<1x16xf32>,
      %broadcast_in_dim3A_115 = arith.constant 0.000000e+00 : f32
      %broadcast_in_dim3A_116 = vector.broadcast %broadcast_in_dim3A_115 : f32 to vector<16xf32>
      %swap3A_117 = arith.index_cast %scan3A_67 : i32 to index
      %swap3A_118 = arith.constant 112 : index
      %swap3A_119 = tpu.vector_load %arg8[%swap3A_117, %swap3A_118] {strides = array<i32>} : memref<112x128xf32, #tpu.memory_space<vmem>>, vector<1x16xf32>,
      %swap3A_120 = vector.shape_cast %swap3A_119 : vector<1x16xf32> to vector<16xf32>
      %swap3A_121 = vector.shape_cast %broadcast_in_dim3A_116 : vector<16xf32> to vector<1x16xf32>
      tpu.vector_store %arg8[%swap3A_117, %swap3A_118], %swap3A_121 {strides = array<i32>} : memref<112x128xf32, #tpu.memory_space<vmem>>, vector<1x16xf32>,
    }
    %scan3A_5 = arith.constant 112 : i32
    %mul3A_6 = arith.constant 632 : i32
    %mul3A_7 = arith.muli %arg1, %mul3A_6 : i32
    %add3A_8 = arith.constant 0 : i32
    %add3A_9 = arith.addi %mul3A_7, %add3A_8 : i32
    "tpu.region"() ({
      %run_scoped3A_67 = tpu.sem_alloc : memref<!tpu.dma_semaphore, #tpu.memory_space<semaphore_mem>>
      %dma_start3A_68 = arith.constant 0 : i32
      %dma_start3A_69 = arith.constant 0 : i32
      %dma_start3A_70 = tpu.memref_slice %arg8[%dma_start3A_68, %dma_start3A_69] : memref<112x128xf32, #tpu.memory_space<vmem>> -> memref<112x128xf32, #tpu.memory_space<vmem>>
      %dma_start3A_71 = arith.constant 0 : i32
      %dma_start3A_72 = tpu.memref_slice %arg11[%add3A_9, %dma_start3A_71] : memref<10112x128xf32, #tpu.memory_space<vmem_shared>> -> memref<112x128xf32, #tpu.memory_space<vmem_shared>>
      %dma_start3A_73 = arith.constant 0 : i32
      %dma_start3A_74 = tpu.memref_slice %arg11[%add3A_9, %dma_start3A_73] : memref<10112x128xf32, #tpu.memory_space<vmem_shared>> -> memref<112x128xf32, #tpu.memory_space<vmem_shared>>
      %dma_start3A_75 = arith.constant 0 : i32
      %dma_start3A_76 = arith.constant 0 : i32
      %dma_start3A_77 = tpu.memref_slice %arg8[%dma_start3A_75, %dma_start3A_76] : memref<112x128xf32, #tpu.memory_space<vmem>> -> memref<112x128xf32, #tpu.memory_space<vmem>>
      tpu.enqueue_dma source(%dma_start3A_77 : memref<112x128xf32, #tpu.memory_space<vmem>>) target(%dma_start3A_74 : memref<112x128xf32, #tpu.memory_space<vmem_shared>>) target_semaphore(%run_scoped3A_67 : memref<!tpu.dma_semaphore, #tpu.memory_space<semaphore_mem>>)
      %dma_wait3A = arith.constant 0 : i32
      %dma_wait3A_78 = arith.constant 0 : i32
      %dma_wait3A_79 = tpu.memref_slice %arg8[%dma_wait3A, %dma_wait3A_78] : memref<112x128xf32, #tpu.memory_space<vmem>> -> memref<112x128xf32, #tpu.memory_space<vmem>>
      %dma_wait3A_80 = arith.constant 0 : i32
      %dma_wait3A_81 = tpu.memref_slice %arg11[%add3A_9, %dma_wait3A_80] : memref<10112x128xf32, #tpu.memory_space<vmem_shared>> -> memref<112x128xf32, #tpu.memory_space<vmem_shared>>
      %dma_wait3A_82 = arith.constant 0 : i32
      %dma_wait3A_83 = tpu.memref_slice %arg11[%add3A_9, %dma_wait3A_82] : memref<10112x128xf32, #tpu.memory_space<vmem_shared>> -> memref<112x128xf32, #tpu.memory_space<vmem_shared>>
      %dma_wait3A_84 = arith.constant 0 : i32
      %dma_wait3A_85 = arith.constant 0 : i32
      %dma_wait3A_86 = tpu.memref_slice %arg8[%dma_wait3A_84, %dma_wait3A_85] : memref<112x128xf32, #tpu.memory_space<vmem>> -> memref<112x128xf32, #tpu.memory_space<vmem>>
      tpu.wait_dma2 semaphore(%run_scoped3A_67 : memref<!tpu.dma_semaphore, #tpu.memory_space<semaphore_mem>>) src(%dma_wait3A_86 : memref<112x128xf32, #tpu.memory_space<vmem>>) dst(%dma_wait3A_83 : memref<112x128xf32, #tpu.memory_space<vmem_shared>>)
      tpu.yield
    }) : () -> ()
    %add3A_10 = arith.constant 112 : i32
    %add3A_11 = arith.addi %mul3A_7, %add3A_10 : i32
    "tpu.region"() ({
      %run_scoped3A_67 = tpu.sem_alloc : memref<!tpu.dma_semaphore, #tpu.memory_space<semaphore_mem>>
      %dma_start3A_68 = arith.constant 0 : i32
      %dma_start3A_69 = arith.constant 0 : i32
      %dma_start3A_70 = tpu.memref_slice %arg8[%dma_start3A_68, %dma_start3A_69] : memref<112x128xf32, #tpu.memory_space<vmem>> -> memref<112x128xf32, #tpu.memory_space<vmem>>
      %dma_start3A_71 = arith.constant 0 : i32
      %dma_start3A_72 = tpu.memref_slice %arg11[%add3A_11, %dma_start3A_71] : memref<10112x128xf32, #tpu.memory_space<vmem_shared>> -> memref<112x128xf32, #tpu.memory_space<vmem_shared>>
      %dma_start3A_73 = arith.constant 0 : i32
      %dma_start3A_74 = tpu.memref_slice %arg11[%add3A_11, %dma_start3A_73] : memref<10112x128xf32, #tpu.memory_space<vmem_shared>> -> memref<112x128xf32, #tpu.memory_space<vmem_shared>>
      %dma_start3A_75 = arith.constant 0 : i32
      %dma_start3A_76 = arith.constant 0 : i32
      %dma_start3A_77 = tpu.memref_slice %arg8[%dma_start3A_75, %dma_start3A_76] : memref<112x128xf32, #tpu.memory_space<vmem>> -> memref<112x128xf32, #tpu.memory_space<vmem>>
      tpu.enqueue_dma source(%dma_start3A_77 : memref<112x128xf32, #tpu.memory_space<vmem>>) target(%dma_start3A_74 : memref<112x128xf32, #tpu.memory_space<vmem_shared>>) target_semaphore(%run_scoped3A_67 : memref<!tpu.dma_semaphore, #tpu.memory_space<semaphore_mem>>)
      %dma_wait3A = arith.constant 0 : i32
      %dma_wait3A_78 = arith.constant 0 : i32
      %dma_wait3A_79 = tpu.memref_slice %arg8[%dma_wait3A, %dma_wait3A_78] : memref<112x128xf32, #tpu.memory_space<vmem>> -> memref<112x128xf32, #tpu.memory_space<vmem>>
      %dma_wait3A_80 = arith.constant 0 : i32
      %dma_wait3A_81 = tpu.memref_slice %arg11[%add3A_11, %dma_wait3A_80] : memref<10112x128xf32, #tpu.memory_space<vmem_shared>> -> memref<112x128xf32, #tpu.memory_space<vmem_shared>>
      %dma_wait3A_82 = arith.constant 0 : i32
      %dma_wait3A_83 = tpu.memref_slice %arg11[%add3A_11, %dma_wait3A_82] : memref<10112x128xf32, #tpu.memory_space<vmem_shared>> -> memref<112x128xf32, #tpu.memory_space<vmem_shared>>
      %dma_wait3A_84 = arith.constant 0 : i32
      %dma_wait3A_85 = arith.constant 0 : i32
      %dma_wait3A_86 = tpu.memref_slice %arg8[%dma_wait3A_84, %dma_wait3A_85] : memref<112x128xf32, #tpu.memory_space<vmem>> -> memref<112x128xf32, #tpu.memory_space<vmem>>
      tpu.wait_dma2 semaphore(%run_scoped3A_67 : memref<!tpu.dma_semaphore, #tpu.memory_space<semaphore_mem>>) src(%dma_wait3A_86 : memref<112x128xf32, #tpu.memory_space<vmem>>) dst(%dma_wait3A_83 : memref<112x128xf32, #tpu.memory_space<vmem_shared>>)
      tpu.yield
    }) : () -> ()
    %add3A_12 = arith.constant 224 : i32
    %add3A_13 = arith.addi %mul3A_7, %add3A_12 : i32
    "tpu.region"() ({
      %run_scoped3A_67 = tpu.sem_alloc : memref<!tpu.dma_semaphore, #tpu.memory_space<semaphore_mem>>
      %dma_start3A_68 = arith.constant 0 : i32
      %dma_start3A_69 = arith.constant 0 : i32
      %dma_start3A_70 = tpu.memref_slice %arg8[%dma_start3A_68, %dma_start3A_69] : memref<112x128xf32, #tpu.memory_space<vmem>> -> memref<112x128xf32, #tpu.memory_space<vmem>>
      %dma_start3A_71 = arith.constant 0 : i32
      %dma_start3A_72 = tpu.memref_slice %arg11[%add3A_13, %dma_start3A_71] : memref<10112x128xf32, #tpu.memory_space<vmem_shared>> -> memref<112x128xf32, #tpu.memory_space<vmem_shared>>
      %dma_start3A_73 = arith.constant 0 : i32
      %dma_start3A_74 = tpu.memref_slice %arg11[%add3A_13, %dma_start3A_73] : memref<10112x128xf32, #tpu.memory_space<vmem_shared>> -> memref<112x128xf32, #tpu.memory_space<vmem_shared>>
      %dma_start3A_75 = arith.constant 0 : i32
      %dma_start3A_76 = arith.constant 0 : i32
      %dma_start3A_77 = tpu.memref_slice %arg8[%dma_start3A_75, %dma_start3A_76] : memref<112x128xf32, #tpu.memory_space<vmem>> -> memref<112x128xf32, #tpu.memory_space<vmem>>
      tpu.enqueue_dma source(%dma_start3A_77 : memref<112x128xf32, #tpu.memory_space<vmem>>) target(%dma_start3A_74 : memref<112x128xf32, #tpu.memory_space<vmem_shared>>) target_semaphore(%run_scoped3A_67 : memref<!tpu.dma_semaphore, #tpu.memory_space<semaphore_mem>>)
      %dma_wait3A = arith.constant 0 : i32
      %dma_wait3A_78 = arith.constant 0 : i32
      %dma_wait3A_79 = tpu.memref_slice %arg8[%dma_wait3A, %dma_wait3A_78] : memref<112x128xf32, #tpu.memory_space<vmem>> -> memref<112x128xf32, #tpu.memory_space<vmem>>
      %dma_wait3A_80 = arith.constant 0 : i32
      %dma_wait3A_81 = tpu.memref_slice %arg11[%add3A_13, %dma_wait3A_80] : memref<10112x128xf32, #tpu.memory_space<vmem_shared>> -> memref<112x128xf32, #tpu.memory_space<vmem_shared>>
      %dma_wait3A_82 = arith.constant 0 : i32
      %dma_wait3A_83 = tpu.memref_slice %arg11[%add3A_13, %dma_wait3A_82] : memref<10112x128xf32, #tpu.memory_space<vmem_shared>> -> memref<112x128xf32, #tpu.memory_space<vmem_shared>>
      %dma_wait3A_84 = arith.constant 0 : i32
      %dma_wait3A_85 = arith.constant 0 : i32
      %dma_wait3A_86 = tpu.memref_slice %arg8[%dma_wait3A_84, %dma_wait3A_85] : memref<112x128xf32, #tpu.memory_space<vmem>> -> memref<112x128xf32, #tpu.memory_space<vmem>>
      tpu.wait_dma2 semaphore(%run_scoped3A_67 : memref<!tpu.dma_semaphore, #tpu.memory_space<semaphore_mem>>) src(%dma_wait3A_86 : memref<112x128xf32, #tpu.memory_space<vmem>>) dst(%dma_wait3A_83 : memref<112x128xf32, #tpu.memory_space<vmem_shared>>)
      tpu.yield
    }) : () -> ()
    %add3A_14 = arith.constant 336 : i32
    %add3A_15 = arith.addi %mul3A_7, %add3A_14 : i32
    "tpu.region"() ({
      %run_scoped3A_67 = tpu.sem_alloc : memref<!tpu.dma_semaphore, #tpu.memory_space<semaphore_mem>>
      %dma_start3A_68 = arith.constant 0 : i32
      %dma_start3A_69 = arith.constant 0 : i32
      %dma_start3A_70 = tpu.memref_slice %arg8[%dma_start3A_68, %dma_start3A_69] : memref<112x128xf32, #tpu.memory_space<vmem>> -> memref<112x128xf32, #tpu.memory_space<vmem>>
      %dma_start3A_71 = arith.constant 0 : i32
      %dma_start3A_72 = tpu.memref_slice %arg11[%add3A_15, %dma_start3A_71] : memref<10112x128xf32, #tpu.memory_space<vmem_shared>> -> memref<112x128xf32, #tpu.memory_space<vmem_shared>>
      %dma_start3A_73 = arith.constant 0 : i32
      %dma_start3A_74 = tpu.memref_slice %arg11[%add3A_15, %dma_start3A_73] : memref<10112x128xf32, #tpu.memory_space<vmem_shared>> -> memref<112x128xf32, #tpu.memory_space<vmem_shared>>
      %dma_start3A_75 = arith.constant 0 : i32
      %dma_start3A_76 = arith.constant 0 : i32
      %dma_start3A_77 = tpu.memref_slice %arg8[%dma_start3A_75, %dma_start3A_76] : memref<112x128xf32, #tpu.memory_space<vmem>> -> memref<112x128xf32, #tpu.memory_space<vmem>>
      tpu.enqueue_dma source(%dma_start3A_77 : memref<112x128xf32, #tpu.memory_space<vmem>>) target(%dma_start3A_74 : memref<112x128xf32, #tpu.memory_space<vmem_shared>>) target_semaphore(%run_scoped3A_67 : memref<!tpu.dma_semaphore, #tpu.memory_space<semaphore_mem>>)
      %dma_wait3A = arith.constant 0 : i32
      %dma_wait3A_78 = arith.constant 0 : i32
      %dma_wait3A_79 = tpu.memref_slice %arg8[%dma_wait3A, %dma_wait3A_78] : memref<112x128xf32, #tpu.memory_space<vmem>> -> memref<112x128xf32, #tpu.memory_space<vmem>>
      %dma_wait3A_80 = arith.constant 0 : i32
      %dma_wait3A_81 = tpu.memref_slice %arg11[%add3A_15, %dma_wait3A_80] : memref<10112x128xf32, #tpu.memory_space<vmem_shared>> -> memref<112x128xf32, #tpu.memory_space<vmem_shared>>
      %dma_wait3A_82 = arith.constant 0 : i32
      %dma_wait3A_83 = tpu.memref_slice %arg11[%add3A_15, %dma_wait3A_82] : memref<10112x128xf32, #tpu.memory_space<vmem_shared>> -> memref<112x128xf32, #tpu.memory_space<vmem_shared>>
      %dma_wait3A_84 = arith.constant 0 : i32
      %dma_wait3A_85 = arith.constant 0 : i32
      %dma_wait3A_86 = tpu.memref_slice %arg8[%dma_wait3A_84, %dma_wait3A_85] : memref<112x128xf32, #tpu.memory_space<vmem>> -> memref<112x128xf32, #tpu.memory_space<vmem>>
      tpu.wait_dma2 semaphore(%run_scoped3A_67 : memref<!tpu.dma_semaphore, #tpu.memory_space<semaphore_mem>>) src(%dma_wait3A_86 : memref<112x128xf32, #tpu.memory_space<vmem>>) dst(%dma_wait3A_83 : memref<112x128xf32, #tpu.memory_space<vmem_shared>>)
      tpu.yield
    }) : () -> ()
    %add3A_16 = arith.constant 448 : i32
    %add3A_17 = arith.addi %mul3A_7, %add3A_16 : i32
    "tpu.region"() ({
      %run_scoped3A_67 = tpu.sem_alloc : memref<!tpu.dma_semaphore, #tpu.memory_space<semaphore_mem>>
      %dma_start3A_68 = arith.constant 0 : i32
      %dma_start3A_69 = arith.constant 0 : i32
      %dma_start3A_70 = tpu.memref_slice %arg8[%dma_start3A_68, %dma_start3A_69] : memref<112x128xf32, #tpu.memory_space<vmem>> -> memref<112x128xf32, #tpu.memory_space<vmem>>
      %dma_start3A_71 = arith.constant 0 : i32
      %dma_start3A_72 = tpu.memref_slice %arg11[%add3A_17, %dma_start3A_71] : memref<10112x128xf32, #tpu.memory_space<vmem_shared>> -> memref<112x128xf32, #tpu.memory_space<vmem_shared>>
      %dma_start3A_73 = arith.constant 0 : i32
      %dma_start3A_74 = tpu.memref_slice %arg11[%add3A_17, %dma_start3A_73] : memref<10112x128xf32, #tpu.memory_space<vmem_shared>> -> memref<112x128xf32, #tpu.memory_space<vmem_shared>>
      %dma_start3A_75 = arith.constant 0 : i32
      %dma_start3A_76 = arith.constant 0 : i32
      %dma_start3A_77 = tpu.memref_slice %arg8[%dma_start3A_75, %dma_start3A_76] : memref<112x128xf32, #tpu.memory_space<vmem>> -> memref<112x128xf32, #tpu.memory_space<vmem>>
      tpu.enqueue_dma source(%dma_start3A_77 : memref<112x128xf32, #tpu.memory_space<vmem>>) target(%dma_start3A_74 : memref<112x128xf32, #tpu.memory_space<vmem_shared>>) target_semaphore(%run_scoped3A_67 : memref<!tpu.dma_semaphore, #tpu.memory_space<semaphore_mem>>)
      %dma_wait3A = arith.constant 0 : i32
      %dma_wait3A_78 = arith.constant 0 : i32
      %dma_wait3A_79 = tpu.memref_slice %arg8[%dma_wait3A, %dma_wait3A_78] : memref<112x128xf32, #tpu.memory_space<vmem>> -> memref<112x128xf32, #tpu.memory_space<vmem>>
      %dma_wait3A_80 = arith.constant 0 : i32
      %dma_wait3A_81 = tpu.memref_slice %arg11[%add3A_17, %dma_wait3A_80] : memref<10112x128xf32, #tpu.memory_space<vmem_shared>> -> memref<112x128xf32, #tpu.memory_space<vmem_shared>>
      %dma_wait3A_82 = arith.constant 0 : i32
      %dma_wait3A_83 = tpu.memref_slice %arg11[%add3A_17, %dma_wait3A_82] : memref<10112x128xf32, #tpu.memory_space<vmem_shared>> -> memref<112x128xf32, #tpu.memory_space<vmem_shared>>
      %dma_wait3A_84 = arith.constant 0 : i32
      %dma_wait3A_85 = arith.constant 0 : i32
      %dma_wait3A_86 = tpu.memref_slice %arg8[%dma_wait3A_84, %dma_wait3A_85] : memref<112x128xf32, #tpu.memory_space<vmem>> -> memref<112x128xf32, #tpu.memory_space<vmem>>
      tpu.wait_dma2 semaphore(%run_scoped3A_67 : memref<!tpu.dma_semaphore, #tpu.memory_space<semaphore_mem>>) src(%dma_wait3A_86 : memref<112x128xf32, #tpu.memory_space<vmem>>) dst(%dma_wait3A_83 : memref<112x128xf32, #tpu.memory_space<vmem_shared>>)
      tpu.yield
    }) : () -> ()
    %add3A_18 = arith.constant 560 : i32
    %add3A_19 = arith.addi %mul3A_7, %add3A_18 : i32
    "tpu.region"() ({
      %run_scoped3A_67 = tpu.sem_alloc : memref<!tpu.dma_semaphore, #tpu.memory_space<semaphore_mem>>
      %dma_start3A_68 = arith.constant 0 : i32
      %dma_start3A_69 = arith.constant 0 : i32
      %dma_start3A_70 = tpu.memref_slice %arg8[%dma_start3A_68, %dma_start3A_69] : memref<112x128xf32, #tpu.memory_space<vmem>> -> memref<72x128xf32, #tpu.memory_space<vmem>>
      %dma_start3A_71 = arith.constant 0 : i32
      %dma_start3A_72 = tpu.memref_slice %arg11[%add3A_19, %dma_start3A_71] : memref<10112x128xf32, #tpu.memory_space<vmem_shared>> -> memref<72x128xf32, #tpu.memory_space<vmem_shared>>
      %dma_start3A_73 = arith.constant 0 : i32
      %dma_start3A_74 = tpu.memref_slice %arg11[%add3A_19, %dma_start3A_73] : memref<10112x128xf32, #tpu.memory_space<vmem_shared>> -> memref<72x128xf32, #tpu.memory_space<vmem_shared>>
      %dma_start3A_75 = arith.constant 0 : i32
      %dma_start3A_76 = arith.constant 0 : i32
      %dma_start3A_77 = tpu.memref_slice %arg8[%dma_start3A_75, %dma_start3A_76] : memref<112x128xf32, #tpu.memory_space<vmem>> -> memref<72x128xf32, #tpu.memory_space<vmem>>
      tpu.enqueue_dma source(%dma_start3A_77 : memref<72x128xf32, #tpu.memory_space<vmem>>) target(%dma_start3A_74 : memref<72x128xf32, #tpu.memory_space<vmem_shared>>) target_semaphore(%run_scoped3A_67 : memref<!tpu.dma_semaphore, #tpu.memory_space<semaphore_mem>>)
      %dma_wait3A = arith.constant 0 : i32
      %dma_wait3A_78 = arith.constant 0 : i32
      %dma_wait3A_79 = tpu.memref_slice %arg8[%dma_wait3A, %dma_wait3A_78] : memref<112x128xf32, #tpu.memory_space<vmem>> -> memref<72x128xf32, #tpu.memory_space<vmem>>
      %dma_wait3A_80 = arith.constant 0 : i32
      %dma_wait3A_81 = tpu.memref_slice %arg11[%add3A_19, %dma_wait3A_80] : memref<10112x128xf32, #tpu.memory_space<vmem_shared>> -> memref<72x128xf32, #tpu.memory_space<vmem_shared>>
      %dma_wait3A_82 = arith.constant 0 : i32
      %dma_wait3A_83 = tpu.memref_slice %arg11[%add3A_19, %dma_wait3A_82] : memref<10112x128xf32, #tpu.memory_space<vmem_shared>> -> memref<72x128xf32, #tpu.memory_space<vmem_shared>>
      %dma_wait3A_84 = arith.constant 0 : i32
      %dma_wait3A_85 = arith.constant 0 : i32
      %dma_wait3A_86 = tpu.memref_slice %arg8[%dma_wait3A_84, %dma_wait3A_85] : memref<112x128xf32, #tpu.memory_space<vmem>> -> memref<72x128xf32, #tpu.memory_space<vmem>>
      tpu.wait_dma2 semaphore(%run_scoped3A_67 : memref<!tpu.dma_semaphore, #tpu.memory_space<semaphore_mem>>) src(%dma_wait3A_86 : memref<72x128xf32, #tpu.memory_space<vmem>>) dst(%dma_wait3A_83 : memref<72x128xf32, #tpu.memory_space<vmem_shared>>)
      tpu.yield
    }) : () -> ()
    %run_scoped3A = arith.constant 0 : i32
    "tpu.region"() ({
      %run_scoped3A_67 = tpu.sem_alloc : memref<!tpu.dma_semaphore, #tpu.memory_space<semaphore_mem>>
      %dma_start3A_68 = arith.constant 0 : i32
      %dma_start3A_69 = arith.constant 0 : i32
      %dma_start3A_70 = tpu.memref_slice %arg6[%run_scoped3A, %dma_start3A_68, %dma_start3A_69] : memref<2x8x112xi32, #tpu.memory_space<vmem>> -> memref<1x8x112xi32, #tpu.memory_space<vmem>>
      %dma_start3A_71 = tpu.memref_squeeze %dma_start3A_70 : memref<1x8x112xi32, #tpu.memory_space<vmem>> -> memref<8x112xi32, #tpu.memory_space<vmem>>
      %dma_start3A_72 = arith.constant 0 : i32
      %dma_start3A_73 = arith.constant 0 : i32
      %dma_start3A_74 = tpu.memref_slice %arg2[%add3A, %dma_start3A_72, %dma_start3A_73] : memref<32x96x112xi32, #tpu.memory_space<hbm>> -> memref<1x8x112xi32, #tpu.memory_space<hbm>>
      %dma_start3A_75 = tpu.memref_squeeze %dma_start3A_74 : memref<1x8x112xi32, #tpu.memory_space<hbm>> -> memref<8x112xi32, #tpu.memory_space<hbm>>
      %dma_start3A_76 = arith.constant 0 : i32
      %dma_start3A_77 = arith.constant 0 : i32
      %dma_start3A_78 = tpu.memref_slice %arg6[%run_scoped3A, %dma_start3A_76, %dma_start3A_77] : memref<2x8x112xi32, #tpu.memory_space<vmem>> -> memref<1x8x112xi32, #tpu.memory_space<vmem>>
      %dma_start3A_79 = tpu.memref_squeeze %dma_start3A_78 : memref<1x8x112xi32, #tpu.memory_space<vmem>> -> memref<8x112xi32, #tpu.memory_space<vmem>>
      %dma_start3A_80 = arith.constant 0 : i32
      %dma_start3A_81 = arith.constant 0 : i32
      %dma_start3A_82 = tpu.memref_slice %arg2[%add3A, %dma_start3A_80, %dma_start3A_81] : memref<32x96x112xi32, #tpu.memory_space<hbm>> -> memref<1x8x112xi32, #tpu.memory_space<hbm>>
      %dma_start3A_83 = tpu.memref_squeeze %dma_start3A_82 : memref<1x8x112xi32, #tpu.memory_space<hbm>> -> memref<8x112xi32, #tpu.memory_space<hbm>>
      tpu.enqueue_dma source(%dma_start3A_83 : memref<8x112xi32, #tpu.memory_space<hbm>>) target(%dma_start3A_79 : memref<8x112xi32, #tpu.memory_space<vmem>>) target_semaphore(%run_scoped3A_67 : memref<!tpu.dma_semaphore, #tpu.memory_space<semaphore_mem>>)
      %dma_wait3A = arith.constant 0 : i32
      %dma_wait3A_84 = arith.constant 0 : i32
      %dma_wait3A_85 = tpu.memref_slice %arg6[%run_scoped3A, %dma_wait3A, %dma_wait3A_84] : memref<2x8x112xi32, #tpu.memory_space<vmem>> -> memref<1x8x112xi32, #tpu.memory_space<vmem>>
      %dma_wait3A_86 = tpu.memref_squeeze %dma_wait3A_85 : memref<1x8x112xi32, #tpu.memory_space<vmem>> -> memref<8x112xi32, #tpu.memory_space<vmem>>
      %dma_wait3A_87 = arith.constant 0 : i32
      %dma_wait3A_88 = arith.constant 0 : i32
      %dma_wait3A_89 = tpu.memref_slice %arg2[%add3A, %dma_wait3A_87, %dma_wait3A_88] : memref<32x96x112xi32, #tpu.memory_space<hbm>> -> memref<1x8x112xi32, #tpu.memory_space<hbm>>
      %dma_wait3A_90 = tpu.memref_squeeze %dma_wait3A_89 : memref<1x8x112xi32, #tpu.memory_space<hbm>> -> memref<8x112xi32, #tpu.memory_space<hbm>>
      %dma_wait3A_91 = arith.constant 0 : i32
      %dma_wait3A_92 = arith.constant 0 : i32
      %dma_wait3A_93 = tpu.memref_slice %arg6[%run_scoped3A, %dma_wait3A_91, %dma_wait3A_92] : memref<2x8x112xi32, #tpu.memory_space<vmem>> -> memref<1x8x112xi32, #tpu.memory_space<vmem>>
      %dma_wait3A_94 = tpu.memref_squeeze %dma_wait3A_93 : memref<1x8x112xi32, #tpu.memory_space<vmem>> -> memref<8x112xi32, #tpu.memory_space<vmem>>
      %dma_wait3A_95 = arith.constant 0 : i32
      %dma_wait3A_96 = arith.constant 0 : i32
      %dma_wait3A_97 = tpu.memref_slice %arg2[%add3A, %dma_wait3A_95, %dma_wait3A_96] : memref<32x96x112xi32, #tpu.memory_space<hbm>> -> memref<1x8x112xi32, #tpu.memory_space<hbm>>
      %dma_wait3A_98 = tpu.memref_squeeze %dma_wait3A_97 : memref<1x8x112xi32, #tpu.memory_space<hbm>> -> memref<8x112xi32, #tpu.memory_space<hbm>>
      tpu.wait_dma2 semaphore(%run_scoped3A_67 : memref<!tpu.dma_semaphore, #tpu.memory_space<semaphore_mem>>) src(%dma_wait3A_98 : memref<8x112xi32, #tpu.memory_space<hbm>>) dst(%dma_wait3A_94 : memref<8x112xi32, #tpu.memory_space<vmem>>)
      tpu.yield
    }) : () -> ()
    %run_scoped3A_20 = arith.constant 0 : i32
    "tpu.region"() ({
      %run_scoped3A_67 = tpu.sem_alloc : memref<!tpu.dma_semaphore, #tpu.memory_space<semaphore_mem>>
      %dma_start3A_68 = arith.constant 0 : i32
      %dma_start3A_69 = arith.constant 0 : i32
      %dma_start3A_70 = tpu.memref_slice %arg7[%run_scoped3A_20, %dma_start3A_68, %dma_start3A_69] : memref<2x8x112xi32, #tpu.memory_space<vmem>> -> memref<1x8x112xi32, #tpu.memory_space<vmem>>
      %dma_start3A_71 = tpu.memref_squeeze %dma_start3A_70 : memref<1x8x112xi32, #tpu.memory_space<vmem>> -> memref<8x112xi32, #tpu.memory_space<vmem>>
      %dma_start3A_72 = arith.constant 0 : i32
      %dma_start3A_73 = arith.constant 0 : i32
      %dma_start3A_74 = tpu.memref_slice %arg3[%add3A, %dma_start3A_72, %dma_start3A_73] : memref<32x96x112xi32, #tpu.memory_space<hbm>> -> memref<1x8x112xi32, #tpu.memory_space<hbm>>
      %dma_start3A_75 = tpu.memref_squeeze %dma_start3A_74 : memref<1x8x112xi32, #tpu.memory_space<hbm>> -> memref<8x112xi32, #tpu.memory_space<hbm>>
      %dma_start3A_76 = arith.constant 0 : i32
      %dma_start3A_77 = arith.constant 0 : i32
      %dma_start3A_78 = tpu.memref_slice %arg7[%run_scoped3A_20, %dma_start3A_76, %dma_start3A_77] : memref<2x8x112xi32, #tpu.memory_space<vmem>> -> memref<1x8x112xi32, #tpu.memory_space<vmem>>
      %dma_start3A_79 = tpu.memref_squeeze %dma_start3A_78 : memref<1x8x112xi32, #tpu.memory_space<vmem>> -> memref<8x112xi32, #tpu.memory_space<vmem>>
      %dma_start3A_80 = arith.constant 0 : i32
      %dma_start3A_81 = arith.constant 0 : i32
      %dma_start3A_82 = tpu.memref_slice %arg3[%add3A, %dma_start3A_80, %dma_start3A_81] : memref<32x96x112xi32, #tpu.memory_space<hbm>> -> memref<1x8x112xi32, #tpu.memory_space<hbm>>
      %dma_start3A_83 = tpu.memref_squeeze %dma_start3A_82 : memref<1x8x112xi32, #tpu.memory_space<hbm>> -> memref<8x112xi32, #tpu.memory_space<hbm>>
      tpu.enqueue_dma source(%dma_start3A_83 : memref<8x112xi32, #tpu.memory_space<hbm>>) target(%dma_start3A_79 : memref<8x112xi32, #tpu.memory_space<vmem>>) target_semaphore(%run_scoped3A_67 : memref<!tpu.dma_semaphore, #tpu.memory_space<semaphore_mem>>)
      %dma_wait3A = arith.constant 0 : i32
      %dma_wait3A_84 = arith.constant 0 : i32
      %dma_wait3A_85 = tpu.memref_slice %arg7[%run_scoped3A_20, %dma_wait3A, %dma_wait3A_84] : memref<2x8x112xi32, #tpu.memory_space<vmem>> -> memref<1x8x112xi32, #tpu.memory_space<vmem>>
      %dma_wait3A_86 = tpu.memref_squeeze %dma_wait3A_85 : memref<1x8x112xi32, #tpu.memory_space<vmem>> -> memref<8x112xi32, #tpu.memory_space<vmem>>
      %dma_wait3A_87 = arith.constant 0 : i32
      %dma_wait3A_88 = arith.constant 0 : i32
      %dma_wait3A_89 = tpu.memref_slice %arg3[%add3A, %dma_wait3A_87, %dma_wait3A_88] : memref<32x96x112xi32, #tpu.memory_space<hbm>> -> memref<1x8x112xi32, #tpu.memory_space<hbm>>
      %dma_wait3A_90 = tpu.memref_squeeze %dma_wait3A_89 : memref<1x8x112xi32, #tpu.memory_space<hbm>> -> memref<8x112xi32, #tpu.memory_space<hbm>>
      %dma_wait3A_91 = arith.constant 0 : i32
      %dma_wait3A_92 = arith.constant 0 : i32
      %dma_wait3A_93 = tpu.memref_slice %arg7[%run_scoped3A_20, %dma_wait3A_91, %dma_wait3A_92] : memref<2x8x112xi32, #tpu.memory_space<vmem>> -> memref<1x8x112xi32, #tpu.memory_space<vmem>>
      %dma_wait3A_94 = tpu.memref_squeeze %dma_wait3A_93 : memref<1x8x112xi32, #tpu.memory_space<vmem>> -> memref<8x112xi32, #tpu.memory_space<vmem>>
      %dma_wait3A_95 = arith.constant 0 : i32
      %dma_wait3A_96 = arith.constant 0 : i32
      %dma_wait3A_97 = tpu.memref_slice %arg3[%add3A, %dma_wait3A_95, %dma_wait3A_96] : memref<32x96x112xi32, #tpu.memory_space<hbm>> -> memref<1x8x112xi32, #tpu.memory_space<hbm>>
      %dma_wait3A_98 = tpu.memref_squeeze %dma_wait3A_97 : memref<1x8x112xi32, #tpu.memory_space<hbm>> -> memref<8x112xi32, #tpu.memory_space<hbm>>
      tpu.wait_dma2 semaphore(%run_scoped3A_67 : memref<!tpu.dma_semaphore, #tpu.memory_space<semaphore_mem>>) src(%dma_wait3A_98 : memref<8x112xi32, #tpu.memory_space<hbm>>) dst(%dma_wait3A_94 : memref<8x112xi32, #tpu.memory_space<vmem>>)
      tpu.yield
    }) : () -> ()
    %barrier3A = arith.constant 0 : index
    tpu.barrier barrier_id(%barrier3A)
    %div3A = arith.constant 0 : i32
    %div3A_21 = arith.constant 8 : i32
    %div3A_22 = arith.divsi %div3A, %div3A_21 : i32
    %rem3A = arith.constant 2 : i32
    %rem3A_23 = arith.remsi %div3A_22, %rem3A : i32
    %rem3A_24 = arith.constant 0 : i32
    %rem3A_25 = arith.constant 8 : i32
    %rem3A_26 = arith.remsi %rem3A_24, %rem3A_25 : i32
    %dma_start3A = arith.constant 0 : i32
    %dma_start3A_27 = tpu.memref_slice %arg6[%rem3A_23, %rem3A_26, %dma_start3A] : memref<2x8x112xi32, #tpu.memory_space<vmem>> -> memref<1x1x112xi32, #tpu.memory_space<vmem>>
    %dma_start3A_28 = tpu.memref_squeeze %dma_start3A_27 : memref<1x1x112xi32, #tpu.memory_space<vmem>> -> memref<112xi32, #tpu.memory_space<vmem>>
    %dma_start3A_29 = arith.constant 0 : i32
    %dma_start3A_30 = arith.constant 0 : i32
    %dma_start3A_31 = tpu.memref_slice %arg4[%dma_start3A_29, %dma_start3A_30] : memref<10000x128xf32, #tpu.memory_space<hbm>> -> memref<10000x128xf32, #tpu.memory_space<hbm>>
    tpu.enqueue_indirect_dma source(%dma_start3A_31 : memref<10000x128xf32, #tpu.memory_space<hbm>>) target(%arg8 : memref<112x128xf32, #tpu.memory_space<vmem>>) offsets(%dma_start3A_28 : memref<112xi32, #tpu.memory_space<vmem>>) semaphore(%arg12 : memref<!tpu.dma_semaphore, #tpu.memory_space<semaphore_mem>>)
    %div3A_32 = arith.constant 1 : i32
    %div3A_33 = arith.constant 8 : i32
    %div3A_34 = arith.divsi %div3A_32, %div3A_33 : i32
    %rem3A_35 = arith.constant 2 : i32
    %rem3A_36 = arith.remsi %div3A_34, %rem3A_35 : i32
    %rem3A_37 = arith.constant 1 : i32
    %rem3A_38 = arith.constant 8 : i32
    %rem3A_39 = arith.remsi %rem3A_37, %rem3A_38 : i32
    %dma_start3A_40 = arith.constant 0 : i32
    %dma_start3A_41 = tpu.memref_slice %arg6[%rem3A_36, %rem3A_39, %dma_start3A_40] : memref<2x8x112xi32, #tpu.memory_space<vmem>> -> memref<1x1x112xi32, #tpu.memory_space<vmem>>
    %dma_start3A_42 = tpu.memref_squeeze %dma_start3A_41 : memref<1x1x112xi32, #tpu.memory_space<vmem>> -> memref<112xi32, #tpu.memory_space<vmem>>
    %dma_start3A_43 = arith.constant 0 : i32
    %dma_start3A_44 = arith.constant 0 : i32
    %dma_start3A_45 = tpu.memref_slice %arg4[%dma_start3A_43, %dma_start3A_44] : memref<10000x128xf32, #tpu.memory_space<hbm>> -> memref<10000x128xf32, #tpu.memory_space<hbm>>
    tpu.enqueue_indirect_dma source(%dma_start3A_45 : memref<10000x128xf32, #tpu.memory_space<hbm>>) target(%arg9 : memref<112x128xf32, #tpu.memory_space<vmem>>) offsets(%dma_start3A_42 : memref<112xi32, #tpu.memory_space<vmem>>) semaphore(%arg13 : memref<!tpu.dma_semaphore, #tpu.memory_space<semaphore_mem>>)
    %div3A_46 = arith.constant 2 : i32
    %div3A_47 = arith.constant 8 : i32
    %div3A_48 = arith.divsi %div3A_46, %div3A_47 : i32
    %rem3A_49 = arith.constant 2 : i32
    %rem3A_50 = arith.remsi %div3A_48, %rem3A_49 : i32
    %rem3A_51 = arith.constant 2 : i32
    %rem3A_52 = arith.constant 8 : i32
    %rem3A_53 = arith.remsi %rem3A_51, %rem3A_52 : i32
    %dma_start3A_54 = arith.constant 0 : i32
    %dma_start3A_55 = tpu.memref_slice %arg6[%rem3A_50, %rem3A_53, %dma_start3A_54] : memref<2x8x112xi32, #tpu.memory_space<vmem>> -> memref<1x1x112xi32, #tpu.memory_space<vmem>>
    %dma_start3A_56 = tpu.memref_squeeze %dma_start3A_55 : memref<1x1x112xi32, #tpu.memory_space<vmem>> -> memref<112xi32, #tpu.memory_space<vmem>>
    %dma_start3A_57 = arith.constant 0 : i32
    %dma_start3A_58 = arith.constant 0 : i32
    %dma_start3A_59 = tpu.memref_slice %arg4[%dma_start3A_57, %dma_start3A_58] : memref<10000x128xf32, #tpu.memory_space<hbm>> -> memref<10000x128xf32, #tpu.memory_space<hbm>>
    tpu.enqueue_indirect_dma source(%dma_start3A_59 : memref<10000x128xf32, #tpu.memory_space<hbm>>) target(%arg10 : memref<112x128xf32, #tpu.memory_space<vmem>>) offsets(%dma_start3A_56 : memref<112xi32, #tpu.memory_space<vmem>>) semaphore(%arg14 : memref<!tpu.dma_semaphore, #tpu.memory_space<semaphore_mem>>)
    %scan3A_60 = arith.constant 0 : i32
    %scan3A_61 = arith.constant 0 : i32
    %scan3A_62 = arith.constant 30 : i32
    %scan3A_63 = arith.addi %scan3A_61, %scan3A_62 : i32
    %scan3A_64 = arith.constant 1 : i32
    scf.for %scan3A_67 = %scan3A_61 to %scan3A_63 step %scan3A_64  : i32 {
      %mul3A_68 = arith.constant 3 : i32
      %mul3A_69 = arith.muli %scan3A_67, %mul3A_68 : i32
      %div3A_70 = arith.constant 8 : i32
      %div3A_71 = arith.divsi %mul3A_69, %div3A_70 : i32
      %rem3A_72 = arith.constant 8 : i32
      %rem3A_73 = arith.remsi %mul3A_69, %rem3A_72 : i32
      %lt3A = arith.constant 3 : i32
      %lt3A_74 = arith.cmpi slt, %rem3A_73, %lt3A : i32
      %add3A_75 = arith.constant 1 : i32
      %add3A_76 = arith.addi %div3A_71, %add3A_75 : i32
      %lt3A_77 = arith.constant 12 : i32
      %lt3A_78 = arith.cmpi slt, %add3A_76, %lt3A_77 : i32
      %and3A = arith.andi %lt3A_74, %lt3A_78 : i1
      %convert_element_type3A = arith.extui %and3A : i1 to i32
      %cond3A = arith.constant 0 : i32
      %cond3A_79 = arith.cmpi ne, %convert_element_type3A, %cond3A : i32
      scf.if %cond3A_79 {
        %add3A_176 = arith.constant 1 : i32
        %add3A_177 = arith.addi %div3A_71, %add3A_176 : i32
        %mul3A_178 = arith.constant 8 : i32
        %mul3A_179 = arith.muli %add3A_177, %mul3A_178 : i32
        %add3A_180 = arith.constant 1 : i32
        %add3A_181 = arith.addi %div3A_71, %add3A_180 : i32
        %rem3A_182 = arith.constant 2 : i32
        %rem3A_183 = arith.remsi %add3A_181, %rem3A_182 : i32
        %dma_start3A_184 = arith.constant 0 : i32
        %dma_start3A_185 = arith.constant 0 : i32
        %dma_start3A_186 = tpu.memref_slice %arg6[%rem3A_183, %dma_start3A_184, %dma_start3A_185] : memref<2x8x112xi32, #tpu.memory_space<vmem>> -> memref<1x8x112xi32, #tpu.memory_space<vmem>>
        %dma_start3A_187 = tpu.memref_squeeze %dma_start3A_186 : memref<1x8x112xi32, #tpu.memory_space<vmem>> -> memref<8x112xi32, #tpu.memory_space<vmem>>
        %dma_start3A_188 = arith.constant 0 : i32
        %dma_start3A_189 = tpu.memref_slice %arg2[%add3A, %mul3A_179, %dma_start3A_188] : memref<32x96x112xi32, #tpu.memory_space<hbm>> -> memref<1x8x112xi32, #tpu.memory_space<hbm>>
        %dma_start3A_190 = tpu.memref_squeeze %dma_start3A_189 : memref<1x8x112xi32, #tpu.memory_space<hbm>> -> memref<8x112xi32, #tpu.memory_space<hbm>>
        %dma_start3A_191 = arith.constant 0 : i32
        %dma_start3A_192 = arith.constant 0 : i32
        %dma_start3A_193 = tpu.memref_slice %arg6[%rem3A_183, %dma_start3A_191, %dma_start3A_192] : memref<2x8x112xi32, #tpu.memory_space<vmem>> -> memref<1x8x112xi32, #tpu.memory_space<vmem>>
        %dma_start3A_194 = tpu.memref_squeeze %dma_start3A_193 : memref<1x8x112xi32, #tpu.memory_space<vmem>> -> memref<8x112xi32, #tpu.memory_space<vmem>>
        %dma_start3A_195 = arith.constant 0 : i32
        %dma_start3A_196 = tpu.memref_slice %arg2[%add3A, %mul3A_179, %dma_start3A_195] : memref<32x96x112xi32, #tpu.memory_space<hbm>> -> memref<1x8x112xi32, #tpu.memory_space<hbm>>
        %dma_start3A_197 = tpu.memref_squeeze %dma_start3A_196 : memref<1x8x112xi32, #tpu.memory_space<hbm>> -> memref<8x112xi32, #tpu.memory_space<hbm>>
        tpu.enqueue_dma source(%dma_start3A_197 : memref<8x112xi32, #tpu.memory_space<hbm>>) target(%dma_start3A_194 : memref<8x112xi32, #tpu.memory_space<vmem>>) target_semaphore(%arg15 : memref<!tpu.dma_semaphore, #tpu.memory_space<semaphore_mem>>)
        %add3A_198 = arith.constant 1 : i32
        %add3A_199 = arith.addi %div3A_71, %add3A_198 : i32
        %mul3A_200 = arith.constant 8 : i32
        %mul3A_201 = arith.muli %add3A_199, %mul3A_200 : i32
        %add3A_202 = arith.constant 1 : i32
        %add3A_203 = arith.addi %div3A_71, %add3A_202 : i32
        %rem3A_204 = arith.constant 2 : i32
        %rem3A_205 = arith.remsi %add3A_203, %rem3A_204 : i32
        %dma_start3A_206 = arith.constant 0 : i32
        %dma_start3A_207 = arith.constant 0 : i32
        %dma_start3A_208 = tpu.memref_slice %arg7[%rem3A_205, %dma_start3A_206, %dma_start3A_207] : memref<2x8x112xi32, #tpu.memory_space<vmem>> -> memref<1x8x112xi32, #tpu.memory_space<vmem>>
        %dma_start3A_209 = tpu.memref_squeeze %dma_start3A_208 : memref<1x8x112xi32, #tpu.memory_space<vmem>> -> memref<8x112xi32, #tpu.memory_space<vmem>>
        %dma_start3A_210 = arith.constant 0 : i32
        %dma_start3A_211 = tpu.memref_slice %arg3[%add3A, %mul3A_201, %dma_start3A_210] : memref<32x96x112xi32, #tpu.memory_space<hbm>> -> memref<1x8x112xi32, #tpu.memory_space<hbm>>
        %dma_start3A_212 = tpu.memref_squeeze %dma_start3A_211 : memref<1x8x112xi32, #tpu.memory_space<hbm>> -> memref<8x112xi32, #tpu.memory_space<hbm>>
        %dma_start3A_213 = arith.constant 0 : i32
        %dma_start3A_214 = arith.constant 0 : i32
        %dma_start3A_215 = tpu.memref_slice %arg7[%rem3A_205, %dma_start3A_213, %dma_start3A_214] : memref<2x8x112xi32, #tpu.memory_space<vmem>> -> memref<1x8x112xi32, #tpu.memory_space<vmem>>
        %dma_start3A_216 = tpu.memref_squeeze %dma_start3A_215 : memref<1x8x112xi32, #tpu.memory_space<vmem>> -> memref<8x112xi32, #tpu.memory_space<vmem>>
        %dma_start3A_217 = arith.constant 0 : i32
        %dma_start3A_218 = tpu.memref_slice %arg3[%add3A, %mul3A_201, %dma_start3A_217] : memref<32x96x112xi32, #tpu.memory_space<hbm>> -> memref<1x8x112xi32, #tpu.memory_space<hbm>>
        %dma_start3A_219 = tpu.memref_squeeze %dma_start3A_218 : memref<1x8x112xi32, #tpu.memory_space<hbm>> -> memref<8x112xi32, #tpu.memory_space<hbm>>
        tpu.enqueue_dma source(%dma_start3A_219 : memref<8x112xi32, #tpu.memory_space<hbm>>) target(%dma_start3A_216 : memref<8x112xi32, #tpu.memory_space<vmem>>) target_semaphore(%arg15 : memref<!tpu.dma_semaphore, #tpu.memory_space<semaphore_mem>>)
      } else {
      }
      %rem3A_80 = arith.constant 8 : i32
      %rem3A_81 = arith.remsi %mul3A_69, %rem3A_80 : i32
      %ge3A = arith.constant 3 : i32
      %ge3A_82 = arith.cmpi sge, %rem3A_81, %ge3A : i32
      %lt3A_83 = arith.constant 6 : i32
      %lt3A_84 = arith.cmpi slt, %rem3A_81, %lt3A_83 : i32
      %and3A_85 = arith.andi %ge3A_82, %lt3A_84 : i1
      %add3A_86 = arith.constant 1 : i32
      %add3A_87 = arith.addi %div3A_71, %add3A_86 : i32
      %lt3A_88 = arith.constant 12 : i32
      %lt3A_89 = arith.cmpi slt, %add3A_87, %lt3A_88 : i32
      %and3A_90 = arith.andi %and3A_85, %lt3A_89 : i1
      %convert_element_type3A_91 = arith.extui %and3A_90 : i1 to i32
      %cond3A_92 = arith.constant 0 : i32
      %cond3A_93 = arith.cmpi ne, %convert_element_type3A_91, %cond3A_92 : i32
      scf.if %cond3A_93 {
        %add3A_176 = arith.constant 1 : i32
        %add3A_177 = arith.addi %div3A_71, %add3A_176 : i32
        %mul3A_178 = arith.constant 8 : i32
        %mul3A_179 = arith.muli %add3A_177, %mul3A_178 : i32
        %add3A_180 = arith.constant 1 : i32
        %add3A_181 = arith.addi %div3A_71, %add3A_180 : i32
        %rem3A_182 = arith.constant 2 : i32
        %rem3A_183 = arith.remsi %add3A_181, %rem3A_182 : i32
        %dma_wait3A_184 = arith.constant 0 : i32
        %dma_wait3A_185 = arith.constant 0 : i32
        %dma_wait3A_186 = tpu.memref_slice %arg6[%rem3A_183, %dma_wait3A_184, %dma_wait3A_185] : memref<2x8x112xi32, #tpu.memory_space<vmem>> -> memref<1x8x112xi32, #tpu.memory_space<vmem>>
        %dma_wait3A_187 = tpu.memref_squeeze %dma_wait3A_186 : memref<1x8x112xi32, #tpu.memory_space<vmem>> -> memref<8x112xi32, #tpu.memory_space<vmem>>
        %dma_wait3A_188 = arith.constant 0 : i32
        %dma_wait3A_189 = tpu.memref_slice %arg2[%add3A, %mul3A_179, %dma_wait3A_188] : memref<32x96x112xi32, #tpu.memory_space<hbm>> -> memref<1x8x112xi32, #tpu.memory_space<hbm>>
        %dma_wait3A_190 = tpu.memref_squeeze %dma_wait3A_189 : memref<1x8x112xi32, #tpu.memory_space<hbm>> -> memref<8x112xi32, #tpu.memory_space<hbm>>
        %dma_wait3A_191 = arith.constant 0 : i32
        %dma_wait3A_192 = arith.constant 0 : i32
        %dma_wait3A_193 = tpu.memref_slice %arg6[%rem3A_183, %dma_wait3A_191, %dma_wait3A_192] : memref<2x8x112xi32, #tpu.memory_space<vmem>> -> memref<1x8x112xi32, #tpu.memory_space<vmem>>
        %dma_wait3A_194 = tpu.memref_squeeze %dma_wait3A_193 : memref<1x8x112xi32, #tpu.memory_space<vmem>> -> memref<8x112xi32, #tpu.memory_space<vmem>>
        %dma_wait3A_195 = arith.constant 0 : i32
        %dma_wait3A_196 = tpu.memref_slice %arg2[%add3A, %mul3A_179, %dma_wait3A_195] : memref<32x96x112xi32, #tpu.memory_space<hbm>> -> memref<1x8x112xi32, #tpu.memory_space<hbm>>
        %dma_wait3A_197 = tpu.memref_squeeze %dma_wait3A_196 : memref<1x8x112xi32, #tpu.memory_space<hbm>> -> memref<8x112xi32, #tpu.memory_space<hbm>>
        tpu.wait_dma2 semaphore(%arg15 : memref<!tpu.dma_semaphore, #tpu.memory_space<semaphore_mem>>) src(%dma_wait3A_197 : memref<8x112xi32, #tpu.memory_space<hbm>>) dst(%dma_wait3A_194 : memref<8x112xi32, #tpu.memory_space<vmem>>)
        %add3A_198 = arith.constant 1 : i32
        %add3A_199 = arith.addi %div3A_71, %add3A_198 : i32
        %mul3A_200 = arith.constant 8 : i32
        %mul3A_201 = arith.muli %add3A_199, %mul3A_200 : i32
        %add3A_202 = arith.constant 1 : i32
        %add3A_203 = arith.addi %div3A_71, %add3A_202 : i32
        %rem3A_204 = arith.constant 2 : i32
        %rem3A_205 = arith.remsi %add3A_203, %rem3A_204 : i32
        %dma_wait3A_206 = arith.constant 0 : i32
        %dma_wait3A_207 = arith.constant 0 : i32
        %dma_wait3A_208 = tpu.memref_slice %arg7[%rem3A_205, %dma_wait3A_206, %dma_wait3A_207] : memref<2x8x112xi32, #tpu.memory_space<vmem>> -> memref<1x8x112xi32, #tpu.memory_space<vmem>>
        %dma_wait3A_209 = tpu.memref_squeeze %dma_wait3A_208 : memref<1x8x112xi32, #tpu.memory_space<vmem>> -> memref<8x112xi32, #tpu.memory_space<vmem>>
        %dma_wait3A_210 = arith.constant 0 : i32
        %dma_wait3A_211 = tpu.memref_slice %arg3[%add3A, %mul3A_201, %dma_wait3A_210] : memref<32x96x112xi32, #tpu.memory_space<hbm>> -> memref<1x8x112xi32, #tpu.memory_space<hbm>>
        %dma_wait3A_212 = tpu.memref_squeeze %dma_wait3A_211 : memref<1x8x112xi32, #tpu.memory_space<hbm>> -> memref<8x112xi32, #tpu.memory_space<hbm>>
        %dma_wait3A_213 = arith.constant 0 : i32
        %dma_wait3A_214 = arith.constant 0 : i32
        %dma_wait3A_215 = tpu.memref_slice %arg7[%rem3A_205, %dma_wait3A_213, %dma_wait3A_214] : memref<2x8x112xi32, #tpu.memory_space<vmem>> -> memref<1x8x112xi32, #tpu.memory_space<vmem>>
        %dma_wait3A_216 = tpu.memref_squeeze %dma_wait3A_215 : memref<1x8x112xi32, #tpu.memory_space<vmem>> -> memref<8x112xi32, #tpu.memory_space<vmem>>
        %dma_wait3A_217 = arith.constant 0 : i32
        %dma_wait3A_218 = tpu.memref_slice %arg3[%add3A, %mul3A_201, %dma_wait3A_217] : memref<32x96x112xi32, #tpu.memory_space<hbm>> -> memref<1x8x112xi32, #tpu.memory_space<hbm>>
        %dma_wait3A_219 = tpu.memref_squeeze %dma_wait3A_218 : memref<1x8x112xi32, #tpu.memory_space<hbm>> -> memref<8x112xi32, #tpu.memory_space<hbm>>
        tpu.wait_dma2 semaphore(%arg15 : memref<!tpu.dma_semaphore, #tpu.memory_space<semaphore_mem>>) src(%dma_wait3A_219 : memref<8x112xi32, #tpu.memory_space<hbm>>) dst(%dma_wait3A_216 : memref<8x112xi32, #tpu.memory_space<vmem>>)
      } else {
      }
      %div3A_94 = arith.constant 8 : i32
      %div3A_95 = arith.divsi %mul3A_69, %div3A_94 : i32
      %rem3A_96 = arith.constant 2 : i32
      %rem3A_97 = arith.remsi %div3A_95, %rem3A_96 : i32
      %rem3A_98 = arith.constant 8 : i32
      %rem3A_99 = arith.remsi %mul3A_69, %rem3A_98 : i32
      %dma_wait3A = arith.constant 0 : i32
      %dma_wait3A_100 = tpu.memref_slice %arg6[%rem3A_97, %rem3A_99, %dma_wait3A] : memref<2x8x112xi32, #tpu.memory_space<vmem>> -> memref<1x1x112xi32, #tpu.memory_space<vmem>>
      %dma_wait3A_101 = tpu.memref_squeeze %dma_wait3A_100 : memref<1x1x112xi32, #tpu.memory_space<vmem>> -> memref<112xi32, #tpu.memory_space<vmem>>
      %dma_wait3A_102 = arith.constant 0 : i32
      %dma_wait3A_103 = arith.constant 0 : i32
      %dma_wait3A_104 = tpu.memref_slice %arg4[%dma_wait3A_102, %dma_wait3A_103] : memref<10000x128xf32, #tpu.memory_space<hbm>> -> memref<10000x128xf32, #tpu.memory_space<hbm>>
      tpu.wait_indirect_dma semaphore(%arg12 : memref<!tpu.dma_semaphore, #tpu.memory_space<semaphore_mem>>) src(%dma_wait3A_104 : memref<10000x128xf32, #tpu.memory_space<hbm>>) dst(%arg8 : memref<112x128xf32, #tpu.memory_space<vmem>>)
      %div3A_105 = arith.constant 8 : i32
      %div3A_106 = arith.divsi %mul3A_69, %div3A_105 : i32
      %rem3A_107 = arith.constant 2 : i32
      %rem3A_108 = arith.remsi %div3A_106, %rem3A_107 : i32
      %rem3A_109 = arith.constant 8 : i32
      %rem3A_110 = arith.remsi %mul3A_69, %rem3A_109 : i32
      "tpu.region"() ({
        %run_scoped3A_176 = tpu.sem_alloc : memref<!tpu.dma_semaphore, #tpu.memory_space<semaphore_mem>>
        %dma_start3A_177 = arith.constant 0 : i32
        %dma_start3A_178 = tpu.memref_slice %arg7[%rem3A_108, %rem3A_110, %dma_start3A_177] : memref<2x8x112xi32, #tpu.memory_space<vmem>> -> memref<1x1x112xi32, #tpu.memory_space<vmem>>
        %dma_start3A_179 = tpu.memref_squeeze %dma_start3A_178 : memref<1x1x112xi32, #tpu.memory_space<vmem>> -> memref<112xi32, #tpu.memory_space<vmem>>
        %dma_start3A_180 = arith.constant 0 : i32
        %dma_start3A_181 = arith.constant 0 : i32
        %dma_start3A_182 = tpu.memref_slice %arg11[%dma_start3A_180, %dma_start3A_181] : memref<10112x128xf32, #tpu.memory_space<vmem_shared>> -> memref<10112x128xf32, #tpu.memory_space<vmem_shared>>
        tpu.enqueue_indirect_dma source(%arg8 : memref<112x128xf32, #tpu.memory_space<vmem>>) target(%dma_start3A_182 : memref<10112x128xf32, #tpu.memory_space<vmem_shared>>) offsets(%dma_start3A_179 : memref<112xi32, #tpu.memory_space<vmem>>) semaphore(%run_scoped3A_176 : memref<!tpu.dma_semaphore, #tpu.memory_space<semaphore_mem>>) {add = true}
        %dma_wait3A_183 = arith.constant 0 : i32
        %dma_wait3A_184 = tpu.memref_slice %arg7[%rem3A_108, %rem3A_110, %dma_wait3A_183] : memref<2x8x112xi32, #tpu.memory_space<vmem>> -> memref<1x1x112xi32, #tpu.memory_space<vmem>>
        %dma_wait3A_185 = tpu.memref_squeeze %dma_wait3A_184 : memref<1x1x112xi32, #tpu.memory_space<vmem>> -> memref<112xi32, #tpu.memory_space<vmem>>
        %dma_wait3A_186 = arith.constant 0 : i32
        %dma_wait3A_187 = arith.constant 0 : i32
        %dma_wait3A_188 = tpu.memref_slice %arg11[%dma_wait3A_186, %dma_wait3A_187] : memref<10112x128xf32, #tpu.memory_space<vmem_shared>> -> memref<10112x128xf32, #tpu.memory_space<vmem_shared>>
        tpu.wait_indirect_dma semaphore(%run_scoped3A_176 : memref<!tpu.dma_semaphore, #tpu.memory_space<semaphore_mem>>) src(%arg8 : memref<112x128xf32, #tpu.memory_space<vmem>>) dst(%dma_wait3A_188 : memref<10112x128xf32, #tpu.memory_space<vmem_shared>>)
        tpu.yield
      }) : () -> ()
      %add3A_111 = arith.constant 3 : i32
      %add3A_112 = arith.addi %mul3A_69, %add3A_111 : i32
      %lt3A_113 = arith.constant 90 : i32
      %lt3A_114 = arith.cmpi slt, %add3A_112, %lt3A_113 : i32
      %convert_element_type3A_115 = arith.extui %lt3A_114 : i1 to i32
      %cond3A_116 = arith.constant 0 : i32
      %cond3A_117 = arith.cmpi ne, %convert_element_type3A_115, %cond3A_116 : i32
      scf.if %cond3A_117 {
        %add3A_176 = arith.constant 3 : i32
        %add3A_177 = arith.addi %mul3A_69, %add3A_176 : i32
        %div3A_178 = arith.constant 8 : i32
        %div3A_179 = arith.divsi %add3A_177, %div3A_178 : i32
        %rem3A_180 = arith.constant 2 : i32
        %rem3A_181 = arith.remsi %div3A_179, %rem3A_180 : i32
        %rem3A_182 = arith.constant 8 : i32
        %rem3A_183 = arith.remsi %add3A_177, %rem3A_182 : i32
        %dma_start3A_184 = arith.constant 0 : i32
        %dma_start3A_185 = tpu.memref_slice %arg6[%rem3A_181, %rem3A_183, %dma_start3A_184] : memref<2x8x112xi32, #tpu.memory_space<vmem>> -> memref<1x1x112xi32, #tpu.memory_space<vmem>>
        %dma_start3A_186 = tpu.memref_squeeze %dma_start3A_185 : memref<1x1x112xi32, #tpu.memory_space<vmem>> -> memref<112xi32, #tpu.memory_space<vmem>>
        %dma_start3A_187 = arith.constant 0 : i32
        %dma_start3A_188 = arith.constant 0 : i32
        %dma_start3A_189 = tpu.memref_slice %arg4[%dma_start3A_187, %dma_start3A_188] : memref<10000x128xf32, #tpu.memory_space<hbm>> -> memref<10000x128xf32, #tpu.memory_space<hbm>>
        tpu.enqueue_indirect_dma source(%dma_start3A_189 : memref<10000x128xf32, #tpu.memory_space<hbm>>) target(%arg8 : memref<112x128xf32, #tpu.memory_space<vmem>>) offsets(%dma_start3A_186 : memref<112xi32, #tpu.memory_space<vmem>>) semaphore(%arg12 : memref<!tpu.dma_semaphore, #tpu.memory_space<semaphore_mem>>)
      } else {
      }
      %add3A_118 = arith.constant 1 : i32
      %add3A_119 = arith.addi %mul3A_69, %add3A_118 : i32
      %div3A_120 = arith.constant 8 : i32
      %div3A_121 = arith.divsi %add3A_119, %div3A_120 : i32
      %rem3A_122 = arith.constant 2 : i32
      %rem3A_123 = arith.remsi %div3A_121, %rem3A_122 : i32
      %rem3A_124 = arith.constant 8 : i32
      %rem3A_125 = arith.remsi %add3A_119, %rem3A_124 : i32
      %dma_wait3A_126 = arith.constant 0 : i32
      %dma_wait3A_127 = tpu.memref_slice %arg6[%rem3A_123, %rem3A_125, %dma_wait3A_126] : memref<2x8x112xi32, #tpu.memory_space<vmem>> -> memref<1x1x112xi32, #tpu.memory_space<vmem>>
      %dma_wait3A_128 = tpu.memref_squeeze %dma_wait3A_127 : memref<1x1x112xi32, #tpu.memory_space<vmem>> -> memref<112xi32, #tpu.memory_space<vmem>>
      %dma_wait3A_129 = arith.constant 0 : i32
      %dma_wait3A_130 = arith.constant 0 : i32
      %dma_wait3A_131 = tpu.memref_slice %arg4[%dma_wait3A_129, %dma_wait3A_130] : memref<10000x128xf32, #tpu.memory_space<hbm>> -> memref<10000x128xf32, #tpu.memory_space<hbm>>
      tpu.wait_indirect_dma semaphore(%arg13 : memref<!tpu.dma_semaphore, #tpu.memory_space<semaphore_mem>>) src(%dma_wait3A_131 : memref<10000x128xf32, #tpu.memory_space<hbm>>) dst(%arg9 : memref<112x128xf32, #tpu.memory_space<vmem>>)
      %add3A_132 = arith.constant 1 : i32
      %add3A_133 = arith.addi %mul3A_69, %add3A_132 : i32
      %div3A_134 = arith.constant 8 : i32
      %div3A_135 = arith.divsi %add3A_133, %div3A_134 : i32
      %rem3A_136 = arith.constant 2 : i32
      %rem3A_137 = arith.remsi %div3A_135, %rem3A_136 : i32
      %rem3A_138 = arith.constant 8 : i32
      %rem3A_139 = arith.remsi %add3A_133, %rem3A_138 : i32
      "tpu.region"() ({
        %run_scoped3A_176 = tpu.sem_alloc : memref<!tpu.dma_semaphore, #tpu.memory_space<semaphore_mem>>
        %dma_start3A_177 = arith.constant 0 : i32
        %dma_start3A_178 = tpu.memref_slice %arg7[%rem3A_137, %rem3A_139, %dma_start3A_177] : memref<2x8x112xi32, #tpu.memory_space<vmem>> -> memref<1x1x112xi32, #tpu.memory_space<vmem>>
        %dma_start3A_179 = tpu.memref_squeeze %dma_start3A_178 : memref<1x1x112xi32, #tpu.memory_space<vmem>> -> memref<112xi32, #tpu.memory_space<vmem>>
        %dma_start3A_180 = arith.constant 0 : i32
        %dma_start3A_181 = arith.constant 0 : i32
        %dma_start3A_182 = tpu.memref_slice %arg11[%dma_start3A_180, %dma_start3A_181] : memref<10112x128xf32, #tpu.memory_space<vmem_shared>> -> memref<10112x128xf32, #tpu.memory_space<vmem_shared>>
        tpu.enqueue_indirect_dma source(%arg9 : memref<112x128xf32, #tpu.memory_space<vmem>>) target(%dma_start3A_182 : memref<10112x128xf32, #tpu.memory_space<vmem_shared>>) offsets(%dma_start3A_179 : memref<112xi32, #tpu.memory_space<vmem>>) semaphore(%run_scoped3A_176 : memref<!tpu.dma_semaphore, #tpu.memory_space<semaphore_mem>>) {add = true}
        %dma_wait3A_183 = arith.constant 0 : i32
        %dma_wait3A_184 = tpu.memref_slice %arg7[%rem3A_137, %rem3A_139, %dma_wait3A_183] : memref<2x8x112xi32, #tpu.memory_space<vmem>> -> memref<1x1x112xi32, #tpu.memory_space<vmem>>
        %dma_wait3A_185 = tpu.memref_squeeze %dma_wait3A_184 : memref<1x1x112xi32, #tpu.memory_space<vmem>> -> memref<112xi32, #tpu.memory_space<vmem>>
        %dma_wait3A_186 = arith.constant 0 : i32
        %dma_wait3A_187 = arith.constant 0 : i32
        %dma_wait3A_188 = tpu.memref_slice %arg11[%dma_wait3A_186, %dma_wait3A_187] : memref<10112x128xf32, #tpu.memory_space<vmem_shared>> -> memref<10112x128xf32, #tpu.memory_space<vmem_shared>>
        tpu.wait_indirect_dma semaphore(%run_scoped3A_176 : memref<!tpu.dma_semaphore, #tpu.memory_space<semaphore_mem>>) src(%arg9 : memref<112x128xf32, #tpu.memory_space<vmem>>) dst(%dma_wait3A_188 : memref<10112x128xf32, #tpu.memory_space<vmem_shared>>)
        tpu.yield
      }) : () -> ()
      %add3A_140 = arith.constant 4 : i32
      %add3A_141 = arith.addi %mul3A_69, %add3A_140 : i32
      %lt3A_142 = arith.constant 90 : i32
      %lt3A_143 = arith.cmpi slt, %add3A_141, %lt3A_142 : i32
      %convert_element_type3A_144 = arith.extui %lt3A_143 : i1 to i32
      %cond3A_145 = arith.constant 0 : i32
      %cond3A_146 = arith.cmpi ne, %convert_element_type3A_144, %cond3A_145 : i32
      scf.if %cond3A_146 {
        %add3A_176 = arith.constant 4 : i32
        %add3A_177 = arith.addi %mul3A_69, %add3A_176 : i32
        %div3A_178 = arith.constant 8 : i32
        %div3A_179 = arith.divsi %add3A_177, %div3A_178 : i32
        %rem3A_180 = arith.constant 2 : i32
        %rem3A_181 = arith.remsi %div3A_179, %rem3A_180 : i32
        %rem3A_182 = arith.constant 8 : i32
        %rem3A_183 = arith.remsi %add3A_177, %rem3A_182 : i32
        %dma_start3A_184 = arith.constant 0 : i32
        %dma_start3A_185 = tpu.memref_slice %arg6[%rem3A_181, %rem3A_183, %dma_start3A_184] : memref<2x8x112xi32, #tpu.memory_space<vmem>> -> memref<1x1x112xi32, #tpu.memory_space<vmem>>
        %dma_start3A_186 = tpu.memref_squeeze %dma_start3A_185 : memref<1x1x112xi32, #tpu.memory_space<vmem>> -> memref<112xi32, #tpu.memory_space<vmem>>
        %dma_start3A_187 = arith.constant 0 : i32
        %dma_start3A_188 = arith.constant 0 : i32
        %dma_start3A_189 = tpu.memref_slice %arg4[%dma_start3A_187, %dma_start3A_188] : memref<10000x128xf32, #tpu.memory_space<hbm>> -> memref<10000x128xf32, #tpu.memory_space<hbm>>
        tpu.enqueue_indirect_dma source(%dma_start3A_189 : memref<10000x128xf32, #tpu.memory_space<hbm>>) target(%arg9 : memref<112x128xf32, #tpu.memory_space<vmem>>) offsets(%dma_start3A_186 : memref<112xi32, #tpu.memory_space<vmem>>) semaphore(%arg13 : memref<!tpu.dma_semaphore, #tpu.memory_space<semaphore_mem>>)
      } else {
      }
      %add3A_147 = arith.constant 2 : i32
      %add3A_148 = arith.addi %mul3A_69, %add3A_147 : i32
      %div3A_149 = arith.constant 8 : i32
      %div3A_150 = arith.divsi %add3A_148, %div3A_149 : i32
      %rem3A_151 = arith.constant 2 : i32
      %rem3A_152 = arith.remsi %div3A_150, %rem3A_151 : i32
      %rem3A_153 = arith.constant 8 : i32
      %rem3A_154 = arith.remsi %add3A_148, %rem3A_153 : i32
      %dma_wait3A_155 = arith.constant 0 : i32
      %dma_wait3A_156 = tpu.memref_slice %arg6[%rem3A_152, %rem3A_154, %dma_wait3A_155] : memref<2x8x112xi32, #tpu.memory_space<vmem>> -> memref<1x1x112xi32, #tpu.memory_space<vmem>>
      %dma_wait3A_157 = tpu.memref_squeeze %dma_wait3A_156 : memref<1x1x112xi32, #tpu.memory_space<vmem>> -> memref<112xi32, #tpu.memory_space<vmem>>
      %dma_wait3A_158 = arith.constant 0 : i32
      %dma_wait3A_159 = arith.constant 0 : i32
      %dma_wait3A_160 = tpu.memref_slice %arg4[%dma_wait3A_158, %dma_wait3A_159] : memref<10000x128xf32, #tpu.memory_space<hbm>> -> memref<10000x128xf32, #tpu.memory_space<hbm>>
      tpu.wait_indirect_dma semaphore(%arg14 : memref<!tpu.dma_semaphore, #tpu.memory_space<semaphore_mem>>) src(%dma_wait3A_160 : memref<10000x128xf32, #tpu.memory_space<hbm>>) dst(%arg10 : memref<112x128xf32, #tpu.memory_space<vmem>>)
      %add3A_161 = arith.constant 2 : i32
      %add3A_162 = arith.addi %mul3A_69, %add3A_161 : i32
      %div3A_163 = arith.constant 8 : i32
      %div3A_164 = arith.divsi %add3A_162, %div3A_163 : i32
      %rem3A_165 = arith.constant 2 : i32
      %rem3A_166 = arith.remsi %div3A_164, %rem3A_165 : i32
      %rem3A_167 = arith.constant 8 : i32
      %rem3A_168 = arith.remsi %add3A_162, %rem3A_167 : i32
      "tpu.region"() ({
        %run_scoped3A_176 = tpu.sem_alloc : memref<!tpu.dma_semaphore, #tpu.memory_space<semaphore_mem>>
        %dma_start3A_177 = arith.constant 0 : i32
        %dma_start3A_178 = tpu.memref_slice %arg7[%rem3A_166, %rem3A_168, %dma_start3A_177] : memref<2x8x112xi32, #tpu.memory_space<vmem>> -> memref<1x1x112xi32, #tpu.memory_space<vmem>>
        %dma_start3A_179 = tpu.memref_squeeze %dma_start3A_178 : memref<1x1x112xi32, #tpu.memory_space<vmem>> -> memref<112xi32, #tpu.memory_space<vmem>>
        %dma_start3A_180 = arith.constant 0 : i32
        %dma_start3A_181 = arith.constant 0 : i32
        %dma_start3A_182 = tpu.memref_slice %arg11[%dma_start3A_180, %dma_start3A_181] : memref<10112x128xf32, #tpu.memory_space<vmem_shared>> -> memref<10112x128xf32, #tpu.memory_space<vmem_shared>>
        tpu.enqueue_indirect_dma source(%arg10 : memref<112x128xf32, #tpu.memory_space<vmem>>) target(%dma_start3A_182 : memref<10112x128xf32, #tpu.memory_space<vmem_shared>>) offsets(%dma_start3A_179 : memref<112xi32, #tpu.memory_space<vmem>>) semaphore(%run_scoped3A_176 : memref<!tpu.dma_semaphore, #tpu.memory_space<semaphore_mem>>) {add = true}
        %dma_wait3A_183 = arith.constant 0 : i32
        %dma_wait3A_184 = tpu.memref_slice %arg7[%rem3A_166, %rem3A_168, %dma_wait3A_183] : memref<2x8x112xi32, #tpu.memory_space<vmem>> -> memref<1x1x112xi32, #tpu.memory_space<vmem>>
        %dma_wait3A_185 = tpu.memref_squeeze %dma_wait3A_184 : memref<1x1x112xi32, #tpu.memory_space<vmem>> -> memref<112xi32, #tpu.memory_space<vmem>>
        %dma_wait3A_186 = arith.constant 0 : i32
        %dma_wait3A_187 = arith.constant 0 : i32
        %dma_wait3A_188 = tpu.memref_slice %arg11[%dma_wait3A_186, %dma_wait3A_187] : memref<10112x128xf32, #tpu.memory_space<vmem_shared>> -> memref<10112x128xf32, #tpu.memory_space<vmem_shared>>
        tpu.wait_indirect_dma semaphore(%run_scoped3A_176 : memref<!tpu.dma_semaphore, #tpu.memory_space<semaphore_mem>>) src(%arg10 : memref<112x128xf32, #tpu.memory_space<vmem>>) dst(%dma_wait3A_188 : memref<10112x128xf32, #tpu.memory_space<vmem_shared>>)
        tpu.yield
      }) : () -> ()
      %add3A_169 = arith.constant 5 : i32
      %add3A_170 = arith.addi %mul3A_69, %add3A_169 : i32
      %lt3A_171 = arith.constant 90 : i32
      %lt3A_172 = arith.cmpi slt, %add3A_170, %lt3A_171 : i32
      %convert_element_type3A_173 = arith.extui %lt3A_172 : i1 to i32
      %cond3A_174 = arith.constant 0 : i32
      %cond3A_175 = arith.cmpi ne, %convert_element_type3A_173, %cond3A_174 : i32
      scf.if %cond3A_175 {
        %add3A_176 = arith.constant 5 : i32
        %add3A_177 = arith.addi %mul3A_69, %add3A_176 : i32
        %div3A_178 = arith.constant 8 : i32
        %div3A_179 = arith.divsi %add3A_177, %div3A_178 : i32
        %rem3A_180 = arith.constant 2 : i32
        %rem3A_181 = arith.remsi %div3A_179, %rem3A_180 : i32
        %rem3A_182 = arith.constant 8 : i32
        %rem3A_183 = arith.remsi %add3A_177, %rem3A_182 : i32
        %dma_start3A_184 = arith.constant 0 : i32
        %dma_start3A_185 = tpu.memref_slice %arg6[%rem3A_181, %rem3A_183, %dma_start3A_184] : memref<2x8x112xi32, #tpu.memory_space<vmem>> -> memref<1x1x112xi32, #tpu.memory_space<vmem>>
        %dma_start3A_186 = tpu.memref_squeeze %dma_start3A_185 : memref<1x1x112xi32, #tpu.memory_space<vmem>> -> memref<112xi32, #tpu.memory_space<vmem>>
        %dma_start3A_187 = arith.constant 0 : i32
        %dma_start3A_188 = arith.constant 0 : i32
        %dma_start3A_189 = tpu.memref_slice %arg4[%dma_start3A_187, %dma_start3A_188] : memref<10000x128xf32, #tpu.memory_space<hbm>> -> memref<10000x128xf32, #tpu.memory_space<hbm>>
        tpu.enqueue_indirect_dma source(%dma_start3A_189 : memref<10000x128xf32, #tpu.memory_space<hbm>>) target(%arg10 : memref<112x128xf32, #tpu.memory_space<vmem>>) offsets(%dma_start3A_186 : memref<112xi32, #tpu.memory_space<vmem>>) semaphore(%arg14 : memref<!tpu.dma_semaphore, #tpu.memory_space<semaphore_mem>>)
      } else {
      }
    }
    %scan3A_65 = arith.constant 30 : i32
    %barrier3A_66 = arith.constant 0 : index
    tpu.barrier barrier_id(%barrier3A_66)
    "tpu.region"() ({
      %run_scoped3A_67 = tpu.sem_alloc : memref<!tpu.dma_semaphore, #tpu.memory_space<semaphore_mem>>
      %dma_start3A_68 = arith.constant 0 : i32
      %dma_start3A_69 = tpu.memref_slice %arg5[%arg0, %mul3A_7, %dma_start3A_68] : memref<2x10112x128xf32, #tpu.memory_space<hbm>> -> memref<1x632x128xf32, #tpu.memory_space<hbm>>
      %dma_start3A_70 = tpu.memref_squeeze %dma_start3A_69 : memref<1x632x128xf32, #tpu.memory_space<hbm>> -> memref<632x128xf32, #tpu.memory_space<hbm>>
      %dma_start3A_71 = arith.constant 0 : i32
      %dma_start3A_72 = tpu.memref_slice %arg11[%mul3A_7, %dma_start3A_71] : memref<10112x128xf32, #tpu.memory_space<vmem_shared>> -> memref<632x128xf32, #tpu.memory_space<vmem_shared>>
      tpu.enqueue_dma source(%dma_start3A_72 : memref<632x128xf32, #tpu.memory_space<vmem_shared>>) target(%dma_start3A_70 : memref<632x128xf32, #tpu.memory_space<hbm>>) target_semaphore(%run_scoped3A_67 : memref<!tpu.dma_semaphore, #tpu.memory_space<semaphore_mem>>)
      %dma_wait3A = arith.constant 0 : i32
      %dma_wait3A_73 = tpu.memref_slice %arg5[%arg0, %mul3A_7, %dma_wait3A] : memref<2x10112x128xf32, #tpu.memory_space<hbm>> -> memref<1x632x128xf32, #tpu.memory_space<hbm>>
      %dma_wait3A_74 = tpu.memref_squeeze %dma_wait3A_73 : memref<1x632x128xf32, #tpu.memory_space<hbm>> -> memref<632x128xf32, #tpu.memory_space<hbm>>
      %dma_wait3A_75 = arith.constant 0 : i32
      %dma_wait3A_76 = tpu.memref_slice %arg11[%mul3A_7, %dma_wait3A_75] : memref<10112x128xf32, #tpu.memory_space<vmem_shared>> -> memref<632x128xf32, #tpu.memory_space<vmem_shared>>
      tpu.wait_dma2 semaphore(%run_scoped3A_67 : memref<!tpu.dma_semaphore, #tpu.memory_space<semaphore_mem>>) src(%dma_wait3A_76 : memref<632x128xf32, #tpu.memory_space<vmem_shared>>) dst(%dma_wait3A_74 : memref<632x128xf32, #tpu.memory_space<hbm>>)
      tpu.yield
    }) : () -> ()
    return
  }
}

module attributes {stable_mosaic.version = 14 : i64} {
  func.func @_h2_body(%arg0: i32, %arg1: memref<400x128xf32, #tpu.memory_space<vmem>>, %arg2: memref<128x128xf32, #tpu.memory_space<vmem>>, %arg3: memref<2x400x16xf32, #tpu.memory_space<vmem>>, %arg4: memref<400x128xf32, #tpu.memory_space<vmem>>) attributes {dimension_semantics = [#tpu.dimension_semantics<arbitrary>], iteration_bounds = array<i64: 25>, scalar_prefetch = 0 : i64, scratch_operands = 0 : i64, tpu.core_type = #tpu.core_type<tc>, window_params = [{transform_indices = @transform_0, window_bounds = array<i64: 400, 128>}, {pipeline_mode = #tpu.pipeline_mode<synchronous>, transform_indices = @transform_1, window_bounds = array<i64: 128, 128>}, {transform_indices = @transform_2, window_bounds = array<i64: 2, 400, 16>}, {transform_indices = @transform_3, window_bounds = array<i64: 400, 128>}]} {
    %get3A = arith.constant 0 : index
    %get3A_0 = arith.constant 0 : index
    %get3A_1 = arith.constant 0 : index
    %get3A_2 = vector.load %arg3[%get3A, %get3A_0, %get3A_1] : memref<2x400x16xf32, #tpu.memory_space<vmem>>, vector<2x400x16xf32>
    %slice3A = vector.extract_strided_slice %get3A_2 {offsets = [0, 0, 0], sizes = [1, 400, 1], strides = [1, 1, 1]} : vector<2x400x16xf32> to vector<1x400x1xf32>
    %squeeze3A = vector.shape_cast %slice3A : vector<1x400x1xf32> to vector<400x1xf32>
    %slice3A_3 = vector.extract_strided_slice %get3A_2 {offsets = [1, 0, 0], sizes = [1, 400, 1], strides = [1, 1, 1]} : vector<2x400x16xf32> to vector<1x400x1xf32>
    %squeeze3A_4 = vector.shape_cast %slice3A_3 : vector<1x400x1xf32> to vector<400x1xf32>
    %add3A = arith.addf %squeeze3A, %squeeze3A_4 : vector<400x1xf32>
    %add3A_5 = arith.constant 1.000000e+00 : f32
    %add3A_6 = vector.broadcast %add3A_5 : f32 to vector<400x1xf32>
    %add3A_7 = arith.addf %add3A, %add3A_6 : vector<400x1xf32>
    %get3A_8 = arith.constant 0 : index
    %get3A_9 = arith.constant 0 : index
    %get3A_10 = vector.load %arg1[%get3A_8, %get3A_9] : memref<400x128xf32, #tpu.memory_space<vmem>>, vector<400x128xf32>
    %get3A_11 = arith.constant 0 : index
    %get3A_12 = arith.constant 0 : index
    %get3A_13 = vector.load %arg2[%get3A_11, %get3A_12] : memref<128x128xf32, #tpu.memory_space<vmem>>, vector<128x128xf32>
    %dot_general3A = arith.constant dense<0.000000e+00> : vector<400x128xf32>
    %dot_general3A_14 = tpu.matmul %get3A_10, %get3A_13, %dot_general3A {dimension_numbers = #tpu.dot_dimension_numbers<[1], [0], [0], [1], [0, 0, 1, 1], [], []>, transpose_lhs_hint = false} : vector<400x128xf32>, vector<128x128xf32>, vector<400x128xf32> -> vector<400x128xf32>
    %rsqrt3A = math.rsqrt %add3A_7 : vector<400x1xf32>
    %mul3A = vector.broadcast %rsqrt3A : vector<400x1xf32> to vector<400x128xf32>
    %mul3A_15 = arith.mulf %dot_general3A_14, %mul3A : vector<400x128xf32>
    %swap3A = arith.constant 0 : index
    %swap3A_16 = arith.constant 0 : index
    %swap3A_17 = vector.load %arg4[%swap3A, %swap3A_16] : memref<400x128xf32, #tpu.memory_space<vmem>>, vector<400x128xf32>
    tpu.vector_store %arg4[%swap3A, %swap3A_16], %mul3A_15 {strides = array<i32>} : memref<400x128xf32, #tpu.memory_space<vmem>>, vector<400x128xf32>,
    return
  }
  func.func @transform_0(%arg0: i32) -> (i32, i32) {
    %c0_i32 = arith.constant 0 : i32
    %c0_i32_0 = arith.constant 0 : i32
    return %arg0, %c0_i32 : i32, i32
  }
  func.func @transform_1(%arg0: i32) -> (i32, i32) {
    %c0_i32 = arith.constant 0 : i32
    %c0_i32_0 = arith.constant 0 : i32
    %c0_i32_1 = arith.constant 0 : i32
    return %c0_i32, %c0_i32_0 : i32, i32
  }
  func.func @transform_2(%arg0: i32) -> (i32, i32, i32) {
    %c0_i32 = arith.constant 0 : i32
    %c0_i32_0 = arith.constant 0 : i32
    %c0_i32_1 = arith.constant 0 : i32
    return %c0_i32, %arg0, %c0_i32_0 : i32, i32, i32
  }
  func.func @transform_3(%arg0: i32) -> (i32, i32) {
    %c0_i32 = arith.constant 0 : i32
    %c0_i32_0 = arith.constant 0 : i32
    return %arg0, %c0_i32 : i32, i32
  }
}

module attributes {stable_mosaic.version = 14 : i64} {
  func.func @_mlp_body(%arg0: i32, %arg1: memref<2x400x128xf32, #tpu.memory_space<vmem>>, %arg2: memref<2x400x16xf32, #tpu.memory_space<vmem>>, %arg3: memref<400x128xf32, #tpu.memory_space<vmem>>, %arg4: memref<1x128xf32, #tpu.memory_space<vmem>>, %arg5: memref<128x128xf32, #tpu.memory_space<vmem>>, %arg6: memref<1x128xf32, #tpu.memory_space<vmem>>, %arg7: memref<128x64xf32, #tpu.memory_space<vmem>>, %arg8: memref<1x64xf32, #tpu.memory_space<vmem>>, %arg9: memref<400x64xf32, #tpu.memory_space<vmem>>) attributes {dimension_semantics = [#tpu.dimension_semantics<arbitrary>], iteration_bounds = array<i64: 25>, scalar_prefetch = 0 : i64, scratch_operands = 0 : i64, tpu.core_type = #tpu.core_type<tc>, window_params = [{transform_indices = @transform_0, window_bounds = array<i64: 2, 400, 128>}, {transform_indices = @transform_1, window_bounds = array<i64: 2, 400, 16>}, {transform_indices = @transform_2, window_bounds = array<i64: 400, 128>}, {pipeline_mode = #tpu.pipeline_mode<synchronous>, transform_indices = @transform_3, window_bounds = array<i64: 1, 128>}, {pipeline_mode = #tpu.pipeline_mode<synchronous>, transform_indices = @transform_4, window_bounds = array<i64: 128, 128>}, {pipeline_mode = #tpu.pipeline_mode<synchronous>, transform_indices = @transform_5, window_bounds = array<i64: 1, 128>}, {pipeline_mode = #tpu.pipeline_mode<synchronous>, transform_indices = @transform_6, window_bounds = array<i64: 128, 64>}, {pipeline_mode = #tpu.pipeline_mode<synchronous>, transform_indices = @transform_7, window_bounds = array<i64: 1, 64>}, {transform_indices = @transform_8, window_bounds = array<i64: 400, 64>}]} {
    %get3A = arith.constant 0 : index
    %get3A_0 = arith.constant 0 : index
    %get3A_1 = arith.constant 0 : index
    %get3A_2 = vector.load %arg1[%get3A, %get3A_0, %get3A_1] : memref<2x400x128xf32, #tpu.memory_space<vmem>>, vector<2x400x128xf32>
    %get3A_3 = arith.constant 0 : index
    %get3A_4 = arith.constant 0 : index
    %get3A_5 = arith.constant 0 : index
    %get3A_6 = vector.load %arg2[%get3A_3, %get3A_4, %get3A_5] : memref<2x400x16xf32, #tpu.memory_space<vmem>>, vector<2x400x16xf32>
    %slice3A = vector.extract_strided_slice %get3A_6 {offsets = [0, 0, 0], sizes = [1, 400, 1], strides = [1, 1, 1]} : vector<2x400x16xf32> to vector<1x400x1xf32>
    %squeeze3A = vector.shape_cast %slice3A : vector<1x400x1xf32> to vector<400x1xf32>
    %slice3A_7 = vector.extract_strided_slice %get3A_6 {offsets = [1, 0, 0], sizes = [1, 400, 1], strides = [1, 1, 1]} : vector<2x400x16xf32> to vector<1x400x1xf32>
    %squeeze3A_8 = vector.shape_cast %slice3A_7 : vector<1x400x1xf32> to vector<400x1xf32>
    %add3A = arith.addf %squeeze3A, %squeeze3A_8 : vector<400x1xf32>
    %add3A_9 = arith.constant 1.000000e+00 : f32
    %add3A_10 = vector.broadcast %add3A_9 : f32 to vector<400x1xf32>
    %add3A_11 = arith.addf %add3A, %add3A_10 : vector<400x1xf32>
    %rsqrt3A = math.rsqrt %add3A_11 : vector<400x1xf32>
    %slice3A_12 = vector.extract_strided_slice %get3A_2 {offsets = [0, 0, 0], sizes = [1, 400, 128], strides = [1, 1, 1]} : vector<2x400x128xf32> to vector<1x400x128xf32>
    %squeeze3A_13 = vector.shape_cast %slice3A_12 : vector<1x400x128xf32> to vector<400x128xf32>
    %slice3A_14 = vector.extract_strided_slice %get3A_2 {offsets = [1, 0, 0], sizes = [1, 400, 128], strides = [1, 1, 1]} : vector<2x400x128xf32> to vector<1x400x128xf32>
    %squeeze3A_15 = vector.shape_cast %slice3A_14 : vector<1x400x128xf32> to vector<400x128xf32>
    %add3A_16 = arith.addf %squeeze3A_13, %squeeze3A_15 : vector<400x128xf32>
    %get3A_17 = arith.constant 0 : index
    %get3A_18 = arith.constant 0 : index
    %get3A_19 = vector.load %arg3[%get3A_17, %get3A_18] : memref<400x128xf32, #tpu.memory_space<vmem>>, vector<400x128xf32>
    %add3A_20 = arith.addf %add3A_16, %get3A_19 : vector<400x128xf32>
    %mul3A = vector.broadcast %rsqrt3A : vector<400x1xf32> to vector<400x128xf32>
    %mul3A_21 = arith.mulf %add3A_20, %mul3A : vector<400x128xf32>
    %get3A_22 = arith.constant 0 : index
    %get3A_23 = arith.constant 0 : index
    %get3A_24 = vector.load %arg4[%get3A_22, %get3A_23] : memref<1x128xf32, #tpu.memory_space<vmem>>, vector<1x128xf32>
    %add3A_25 = vector.broadcast %get3A_24 : vector<1x128xf32> to vector<400x128xf32>
    %add3A_26 = arith.addf %mul3A_21, %add3A_25 : vector<400x128xf32>
    %max3A = arith.constant 0.000000e+00 : f32
    %max3A_27 = vector.broadcast %max3A : f32 to vector<400x128xf32>
    %max3A_28 = arith.maximumf %add3A_26, %max3A_27 : vector<400x128xf32>
    %get3A_29 = arith.constant 0 : index
    %get3A_30 = arith.constant 0 : index
    %get3A_31 = vector.load %arg5[%get3A_29, %get3A_30] : memref<128x128xf32, #tpu.memory_space<vmem>>, vector<128x128xf32>
    %dot_general3A = arith.constant dense<0.000000e+00> : vector<400x128xf32>
    %dot_general3A_32 = tpu.matmul %max3A_28, %get3A_31, %dot_general3A {dimension_numbers = #tpu.dot_dimension_numbers<[1], [0], [0], [1], [0, 0, 1, 1], [], []>, transpose_lhs_hint = false} : vector<400x128xf32>, vector<128x128xf32>, vector<400x128xf32> -> vector<400x128xf32>
    %get3A_33 = arith.constant 0 : index
    %get3A_34 = arith.constant 0 : index
    %get3A_35 = vector.load %arg6[%get3A_33, %get3A_34] : memref<1x128xf32, #tpu.memory_space<vmem>>, vector<1x128xf32>
    %add3A_36 = vector.broadcast %get3A_35 : vector<1x128xf32> to vector<400x128xf32>
    %add3A_37 = arith.addf %dot_general3A_32, %add3A_36 : vector<400x128xf32>
    %max3A_38 = arith.constant 0.000000e+00 : f32
    %max3A_39 = vector.broadcast %max3A_38 : f32 to vector<400x128xf32>
    %max3A_40 = arith.maximumf %add3A_37, %max3A_39 : vector<400x128xf32>
    %get3A_41 = arith.constant 0 : index
    %get3A_42 = arith.constant 0 : index
    %get3A_43 = vector.load %arg7[%get3A_41, %get3A_42] : memref<128x64xf32, #tpu.memory_space<vmem>>, vector<128x64xf32>
    %dot_general3A_44 = arith.constant dense<0.000000e+00> : vector<400x64xf32>
    %dot_general3A_45 = tpu.matmul %max3A_40, %get3A_43, %dot_general3A_44 {dimension_numbers = #tpu.dot_dimension_numbers<[1], [0], [0], [1], [0, 0, 1, 1], [], []>, transpose_lhs_hint = false} : vector<400x128xf32>, vector<128x64xf32>, vector<400x64xf32> -> vector<400x64xf32>
    %get3A_46 = arith.constant 0 : index
    %get3A_47 = arith.constant 0 : index
    %get3A_48 = vector.load %arg8[%get3A_46, %get3A_47] : memref<1x64xf32, #tpu.memory_space<vmem>>, vector<1x64xf32>
    %add3A_49 = vector.broadcast %get3A_48 : vector<1x64xf32> to vector<400x64xf32>
    %add3A_50 = arith.addf %dot_general3A_45, %add3A_49 : vector<400x64xf32>
    %reduce_max3A = arith.constant dense<0xFF800000> : vector<400xf32>
    %reduce_max3A_51 = vector.multi_reduction <maximumf>, %add3A_50, %reduce_max3A [1] : vector<400x64xf32> to vector<400xf32>
    %broadcast_in_dim3A = vector.shape_cast %reduce_max3A_51 : vector<400xf32> to vector<400x1xf32>
    %sub3A = vector.broadcast %broadcast_in_dim3A : vector<400x1xf32> to vector<400x64xf32>
    %sub3A_52 = arith.subf %add3A_50, %sub3A : vector<400x64xf32>
    %exp3A = math.exp %sub3A_52 : vector<400x64xf32>
    %reduce_sum3A = arith.constant dense<0.000000e+00> : vector<400xf32>
    %reduce_sum3A_53 = vector.multi_reduction <add>, %exp3A, %reduce_sum3A [1] : vector<400x64xf32> to vector<400xf32>
    %broadcast_in_dim3A_54 = vector.shape_cast %reduce_sum3A_53 : vector<400xf32> to vector<400x1xf32>
    %log3A = math.log %broadcast_in_dim3A_54 : vector<400x1xf32>
    %add3A_55 = arith.addf %broadcast_in_dim3A, %log3A : vector<400x1xf32>
    %sub3A_56 = vector.broadcast %add3A_55 : vector<400x1xf32> to vector<400x64xf32>
    %sub3A_57 = arith.subf %add3A_50, %sub3A_56 : vector<400x64xf32>
    %swap3A = arith.constant 0 : index
    %swap3A_58 = arith.constant 0 : index
    %swap3A_59 = vector.load %arg9[%swap3A, %swap3A_58] : memref<400x64xf32, #tpu.memory_space<vmem>>, vector<400x64xf32>
    tpu.vector_store %arg9[%swap3A, %swap3A_58], %sub3A_57 {strides = array<i32>} : memref<400x64xf32, #tpu.memory_space<vmem>>, vector<400x64xf32>,
    return
  }
  func.func @transform_0(%arg0: i32) -> (i32, i32, i32) {
    %c0_i32 = arith.constant 0 : i32
    %c0_i32_0 = arith.constant 0 : i32
    %c0_i32_1 = arith.constant 0 : i32
    return %c0_i32, %arg0, %c0_i32_0 : i32, i32, i32
  }
  func.func @transform_1(%arg0: i32) -> (i32, i32, i32) {
    %c0_i32 = arith.constant 0 : i32
    %c0_i32_0 = arith.constant 0 : i32
    %c0_i32_1 = arith.constant 0 : i32
    return %c0_i32, %arg0, %c0_i32_0 : i32, i32, i32
  }
  func.func @transform_2(%arg0: i32) -> (i32, i32) {
    %c0_i32 = arith.constant 0 : i32
    %c0_i32_0 = arith.constant 0 : i32
    return %arg0, %c0_i32 : i32, i32
  }
  func.func @transform_3(%arg0: i32) -> (i32, i32) {
    %c0_i32 = arith.constant 0 : i32
    %c0_i32_0 = arith.constant 0 : i32
    %c0_i32_1 = arith.constant 0 : i32
    return %c0_i32, %c0_i32_0 : i32, i32
  }
  func.func @transform_4(%arg0: i32) -> (i32, i32) {
    %c0_i32 = arith.constant 0 : i32
    %c0_i32_0 = arith.constant 0 : i32
    %c0_i32_1 = arith.constant 0 : i32
    return %c0_i32, %c0_i32_0 : i32, i32
  }
  func.func @transform_5(%arg0: i32) -> (i32, i32) {
    %c0_i32 = arith.constant 0 : i32
    %c0_i32_0 = arith.constant 0 : i32
    %c0_i32_1 = arith.constant 0 : i32
    return %c0_i32, %c0_i32_0 : i32, i32
  }
  func.func @transform_6(%arg0: i32) -> (i32, i32) {
    %c0_i32 = arith.constant 0 : i32
    %c0_i32_0 = arith.constant 0 : i32
    %c0_i32_1 = arith.constant 0 : i32
    return %c0_i32, %c0_i32_0 : i32, i32
  }
  func.func @transform_7(%arg0: i32) -> (i32, i32) {
    %c0_i32 = arith.constant 0 : i32
    %c0_i32_0 = arith.constant 0 : i32
    %c0_i32_1 = arith.constant 0 : i32
    return %c0_i32, %c0_i32_0 : i32, i32
  }
  func.func @transform_8(%arg0: i32) -> (i32, i32) {
    %c0_i32 = arith.constant 0 : i32
    %c0_i32_0 = arith.constant 0 : i32
    return %arg0, %c0_i32 : i32, i32
  }
}

</mosaic_0001>

<sc_bundles>
// kernel: kernel.6.cloned.1.call-start
scs
__scs_entry_jumppad:
0x0: {  	(pc) =	sbr.rel $0x88, $3  }
0x1: {  	(tag) =	ssettag $0x0;
	lr =	simm.s32 $0x1  }
0x2: {  	[smem:$0x3F99] =	sst lr;
	_ =	strace $0xD0000000  }
0x3: {  	_ = 	snop  }
0x4: {  	_ = 	snop  }
0x5: {  	_ = 	snop  }
0x6: {  	_ = 	snop  }
0x7: {  	_ = 	snop  }
__scs_overlays_trampoline_lowered:
0x8: {  	[smem:$0x3FA8] =	sst s0  }
0x9: {  	[smem:$0x3FA9] =	sst s1  }
0xa: {  	[smem:$0x3FAA] =	sst s2  }
0xb: {  	[smem:$0x3FAB] =	sst s3  }
0xc: {  	[smem:$0x3FAC] =	sst s4  }
0xd: {  	[smem:$0x3FAD] =	sst s5  }
0xe: {  	[smem:$0x3FAE] =	sst s6  }
0xf: {  	[smem:$0x3FAF] =	sst s7  }
0x10: {  	[smem:$0x3FB0] =	sst s8  }
0x11: {  	[smem:$0x3FB1] =	sst s9;
	s0 =	simm.s32 @!p0 $0x0  }
0x12: {  	s1 =	sld [smem:$0x3F97];
	s0 =	simm.s32 @p0 $0x1  }
0x13: {  	[smem:$0x3FB2] =	sst s0;
	s0 =	simm.s32 @!p1 $0x0  }
0x14: {  	s2 =	sld [smem:$0x3F96];
	s0 =	simm.s32 @p1 $0x1  }
0x15: {  	[smem:$0x3FB3] =	sst s0;
	s0 =	simm.s32 @!p2 $0x0  }
0x16: {  	s3 =	sld [smem:$0x3FDB];
	s0 =	simm.s32 @p2 $0x1  }
0x17: {  	s4 =	simm.s32 $0x1BF5;
	[smem:$0x3FB5] =	sst s0  }
0x18: {  	s0 =	sld [smem:$0x3F98];
	_ =	swait.ge [sflag:s4], $0x0  }
0x19: {  	s7 =	sld [smem:$0x3F99]  }
0x1a: {  	s8 =	sadd.s32 $0xFFFFE003, lr  }
0x1b: {  	s9 =	sadd.s32 $0xFFFFFEF7, lr;
	s5 =	simm.s32 $0xFFFFFFFF;
	p2 =	slt.u32 s8, $0xFFFFF086  }
0x1c: {  	p1 =	slt.u32 s9, $0xF7A;
	s5 =	simm.s32 @!p2 $0x0  }
0x1d: {  	s5 =	simm.s32 @p1 $0x1;
	p0 =	seq.s32 s7, s2  }
0x1e: {  	s7 =	smul.u32 @!p0 $0xF7A, s2;
	p2 =	seq.s32 @!p0 s5, $0x0  }
0x1f: {  	s9 =	smul.u32 $0xF7A, s1;
	s8 =	simm.s32 @!p0 $0x1BF5;
	p2 =	por !p2, p0  }
0x20: {  	[sflag:s8] =	ssyncset.s32 @!p0 $0xFFFFF086;
	s6 =	sadd.s32 @!p0 s3, s7;
	s7 =	simm.s32 @!p0 $0x108  }
0x21: {  	s3 =	sadd.s32 s3, s9;
	s6 =	sadd.s32 @!p0 $0x88, s6;
	s7 =	simm.s32 @p2 $0x1082  }
0x22: {  	[simem:s7], [sflag:s8] =	dma.local @!p0 [hbm:s6], $0xF7A  }
0x23: {  	s9 =	sor.u32 $0xD0000000, s2;
	s6 =	simm.s32 $0x108;
	_ =	swait.ge @!p0 [sflag:s8], $0x0  }
0x24: {  	s3 =	sadd.s32 $0x88, s3;
	s6 =	simm.s32 @!p1 $0x1082;
	[sflag:s4] =	ssyncset.s32 $0xFFFFF086  }
0x25: {  	[simem:s6], [sflag:s4] =	dma.local [hbm:s3], $0xF7A  }
0x26: {  	[smem:$0x3F99] =	sst s1;
	(tag) =	ssettag s2;
	_ =	strace s9  }
0x27: {  	s1 =	sld [smem:$0x3FA9]  }
0x28: {  	s2 =	sld [smem:$0x3FAA]  }
0x29: {  	s4 =	sld [smem:$0x3FAC]  }
0x2a: {  	p0 =	seq.s32 s5, $0x0;
	s5 =	sld [smem:$0x3FAD]  }
0x2b: {  	s6 =	sld [smem:$0x3FAE]  }
0x2c: {  	s7 =	sld [smem:$0x3FAF]  }
0x2d: {  	s3 =	simm.s32 $0x108;
	s8 =	sld [smem:$0x3FB0]  }
0x2e: {  	s3 =	simm.s32 @!p0 $0x1082;
	s9 =	sld [smem:$0x3FB1]  }
0x2f: {  	lr =	sadd.s32 s0, s3;
	s0 =	sld [smem:$0x3FA8]  }
0x30: {  	s3 =	sld [smem:$0x3FAB]  }
0x31: {  	[smem:$0x3FB4] =	sst s10  }
0x32: {  	s10 =	sld [smem:$0x3FB2];
	_ =	sdelay $0x3  }
0x33: {  	p0 =	seq.s32 s10, $0x1;
	s10 =	sld [smem:$0x3FB4];
	_ =	sdelay $0x3  }
0x34: {  	[smem:$0x3FB4] =	sst s10  }
0x35: {  	s10 =	sld [smem:$0x3FB3];
	_ =	sdelay $0x3  }
0x36: {  	p1 =	seq.s32 s10, $0x1;
	s10 =	sld [smem:$0x3FB4];
	_ =	sdelay $0x3  }
0x37: {  	[smem:$0x3FB4] =	sst s10  }
0x38: {  	s10 =	sld [smem:$0x3FB5]  }
0x39: {  	_ = 	snop;
	(pc) =	sbr.ind lr, $3  }
0x3a: {  	_ = 	snop  }
0x3b: {  	_ = 	snop  }
0x3c: {  	p2 =	seq.s32 s10, $0x1;
	s10 =	sld [smem:$0x3FB4]  }
0x3d: {  	_ =	shalt  }
0x3e: {  	_ =	shalt  }
0x3f: {  	_ =	shalt  }
0x40: {  	_ =	shalt  }
0x41: {  	_ =	shalt  }
0x42: {  	_ =	shalt  }
0x43: {  	_ =	shalt  }
0x44: {  	_ =	shalt  }
0x45: {  	_ =	shalt  }
0x46: {  	_ =	shalt  }
0x47: {  	_ =	shalt  }
0x48: {  	_ =	shalt  }
0x49: {  	_ =	shalt  }
0x4a: {  	_ =	shalt  }
0x4b: {  	_ =	shalt  }
0x4c: {  	_ =	shalt  }
0x4d: {  	_ =	shalt  }
0x4e: {  	_ =	shalt  }
0x4f: {  	_ =	shalt  }
0x50: {  	_ =	shalt  }
0x51: {  	_ =	shalt  }
0x52: {  	_ =	shalt  }
0x53: {  	_ =	shalt  }
0x54: {  	_ =	shalt  }
0x55: {  	_ =	shalt  }
0x56: {  	_ =	shalt  }
0x57: {  	_ =	shalt  }
0x58: {  	_ =	shalt  }
0x59: {  	_ =	shalt  }
0x5a: {  	_ =	shalt  }
0x5b: {  	_ =	shalt  }
0x5c: {  	_ =	shalt  }
0x5d: {  	_ =	shalt  }
0x5e: {  	_ =	shalt  }
0x5f: {  	_ =	shalt  }
0x60: {  	_ =	shalt  }
0x61: {  	_ =	shalt  }
0x62: {  	_ =	shalt  }
0x63: {  	_ =	shalt  }
0x64: {  	_ =	shalt  }
0x65: {  	_ =	shalt  }
0x66: {  	_ =	shalt  }
0x67: {  	_ =	shalt  }
0x68: {  	_ =	shalt  }
0x69: {  	_ =	shalt  }
0x6a: {  	_ =	shalt  }
0x6b: {  	_ =	shalt  }
0x6c: {  	_ =	shalt  }
0x6d: {  	_ =	shalt  }
0x6e: {  	_ =	shalt  }
0x6f: {  	_ =	shalt  }
0x70: {  	_ =	shalt  }
0x71: {  	_ =	shalt  }
0x72: {  	_ =	shalt  }
0x73: {  	_ =	shalt  }
0x74: {  	_ =	shalt  }
0x75: {  	_ =	shalt  }
0x76: {  	_ =	shalt  }
0x77: {  	_ =	shalt  }
0x78: {  	_ =	shalt  }
0x79: {  	_ =	shalt  }
0x7a: {  	_ =	shalt  }
0x7b: {  	_ =	shalt  }
0x7c: {  	_ =	shalt  }
0x7d: {  	_ =	shalt  }
0x7e: {  	_ =	shalt  }
0x7f: {  	_ =	shalt  }
0x80: {  	_ =	shalt  }
0x81: {  	_ =	shalt  }
0x82: {  	_ =	shalt  }
0x83: {  	_ =	shalt  }
0x84: {  	_ =	shalt  }
0x85: {  	_ =	shalt  }
0x86: {  	_ =	shalt  }
0x87: {  	_ =	shalt  }
.Lfunc_end0:
.L_simem_size_0:
called_computation_lowered:
.L_overlay_start_0:
0x88: {  	s2 =	sld [smem:$0x3FD9]  }
0x89: {  	s3 =	sld [smem:$0x3FFE];
	_ =	sdelay $0x1  }
0x8a: {  	s1 =	srdreg.scid  }
0x8b: {  	s0 =	sand.u32 $0x1, s1  }
0x8c: {  	s17 =	sshll.u32 s0, $0xA;
	s2 =	sadd.s32 s3, s2  }
0x8d: {  	s2 =	sadd.s32 s2, s17  }
0x8e: {  	[smem:$0x3FC0] =	sst s2  }
0x8f: {  	_ = 	snop  }
0x90: {  	s2 =	sld [smem:$0x3FD0];
	(tm) =	ssettm $0x1  }
0x91: {  	s18 =	sld [smem:$0x3FFB];
	_ =	sdelay $0x3  }
0x92: {  	_ =	strace s18  }
0x93: {  	s3 =	sld [smem:$0x3FFC];
	_ =	sdelay $0x3  }
0x94: {  	_ =	strace s3  }
0x95: {  	s3 =	sld [smem:$0x3FFD];
	_ =	sdelay $0x3  }
0x96: {  	_ =	strace s3  }
0x97: {  	_ =	strace $0x8FFFFFFF  }
0x98: {  	s19 =	sld [smem:$0x3FDB];
	_ =	sdelay $0x1  }
0x99: {  	s4 =	simm.s32 $_scs_section_size  }
0x9a: {  	s5 =	simm.s32 $_size__tile_overlayer_lowered;
	s6 =	simm.s32 $_tile_overlayer_lowered  }
0x9b: {  	s22 =	simm.s32 $0x1BFF;
	s21 =	sshll.u32 s6, $0x1;
	s3 =	sadd.s32 s4, s19  }
0x9c: {  	s7 =	simm.s32 $0x0;
	s20 =	sshll.u32 s5, $0x1;
	s5 =	sadd.s32 s21, s3  }
0x9d: {  	[timem:s7], [sflag:s22] =	dma.local [hbm:s5], s20  }
0x9e: {  	_ =	swait.ge [sflag:s22], s20  }
0x9f: {  	s4 =	ssub.s32 $0x0, s20;
	[sflag:s22] =	ssyncset.done $0x0  }
0xa0: {  	[sflag:s22] =	ssyncadd.s32 s4;
	_ =	sdelay $0x1  }
0xa1: {  	s23 =	simm.s32 $0x1B8B  }
0xa2: {  	_ =	swait.ge [sflag:s23], $0x1  }
0xa3: {  	[sflag:s23] =	ssyncset.done $0x0  }
0xa4: {  	s25 =	simm.s32 $0x1B8E;
	s24 =	sld [smem:$0x3FFE];
	[sflag:s23] =	ssyncadd.s32 $0xFFFFFFFF  }
0xa5: {  	s26 =	simm.s32 $execute0_lowered;
	[smem:$0x3FD2] =	sst s25  }
0xa6: {  	s5 =	sshll.u32 s26, $0x1;
	_ =	strace $0x80000046;
	[dreg:$0x1] =	wrdreg $0xFFFFFFFF  }
0xa7: {  	s28 =	simm.s32 $_size_execute0_lowered;
	s3 =	sadd.s32 s3, s5;
	[dreg:$0x0] =	wrdreg $0x0  }
0xa8: {  	s5 =	sshll.u32 s28, $0x1;
	[dreg:$0x2] =	wrdreg s3  }
0xa9: {  	[dreg:$0x3] =	wrdreg s5  }
0xaa: {  	[dreg:$0x4] =	wrdreg $0xC0  }
0xab: {  	_ =	task [dreg:s7], $0x5FFFF  }
0xac: {  	[dreg:$0x1] =	wrdreg $0xFFFFFFFF  }
0xad: {  	[dreg:$0x0] =	wrdreg $0x60  }
0xae: {  	[dreg:$0x2] =	wrdreg s2  }
0xaf: {  	[dreg:$0x3] =	wrdreg s24  }
0xb0: {  	[dreg:$0x4] =	wrdreg $0x88000  }
0xb1: {  	[dreg:$0x5] =	wrdreg $0x9  }
0xb2: {  	_ =	task.clear_ibuf [dreg:s7], $0x6FFFF;
	_ =	strace $0x90000046  }
0xb3: {  	s29 =	simm.s32 $0x9;
	_ =	strace $0x80000048  }
0xb4: {  	_ =	swait.ge [sflag:s29], $0x1  }
0xb5: {  	[sflag:s29] =	ssyncadd.s32 $0xFFFFFFFF  }
0xb6: {  	_ =	strace $0x90000048  }
0xb7: {  	_ =	sfence  }
0xb8: {  	s30 =	sld [smem:$0x0];
	_ =	sdelay $0x2  }
0xb9: {  	s31 =	sshll.u32 s1, $0xD;
	s1 =	sshrl.u32 s1, $0x2  }
0xba: {  	s3 =	sand.u32 $0x4000, s31;
	s1 =	sadd.s32 s1, s30  }
0xbb: {  	s0 =	sor.u32 s3, s0;
	s1 =	sshll.u32 s1, $0x11  }
0xbc: {  	s0 =	sor.u32 s1, s0  }
0xbd: {  	s0 =	sadd.s32 $0x8F2B, s0  }
0xbe: {  	[sflag:s0] =	ssyncadd.remote.s32 $0x1  }
0xbf: {  	_ =	sfence.sel $0xFFFF  }
0xc0: {  	[dreg:$0x0] =	wrdreg $0xFFFFFFFF;
	(pc) =	sbr.abs _section_cstart, $3  }
0xc1: {  	[dreg:$0x1] =	wrdreg $0xFFFFFFFF  }
0xc2: {  	_ =	task.clear_ibuf [dreg:s7], $0x2FFFF;
	_ =	strace $0x9FFFFFFF  }
0xc3: {  	(tm) =	ssettm $0x7FFFFFFF  }
tec
execute0_lowered:
.L_overlay_start_1:
0x0: {  	(tag) =	ssettag $0x1  }
0x1: {  	s14 =	rddreg [dreg:$0x0]  }
0x2: {  	s4 =	rddreg [dreg:$0x1]  }
0x3: {  	s0 =	srdreg.scid;
	s2 =	rddreg [dreg:$0x2]  }
0x4: {  	s1 =	rddreg [dreg:$0x3];
	s3 =	simm.s32 $0x0;
	s5 =	sand.u32 $0x1, s0  }
0x5: {  	s18 =	simm.s32 $0x1;
	s0 =	stileid.u32;
	s6 =	smul.u32 $0x140000, s5  }
0x6: {  	s19 =	simm.s32 $0x70;
	s20 =	simm.s32 $0x3000;
	s7 =	smul.u32 $0x14000, s0  }
0x7: {  	[smem:$0x7FF] =	sst s3;
	s29 =	smul.u32 $0x50000, s0;
	s8 =	ssub.s32 $0x2, s5  }
0x8: {  	_ =	strace $0x80000047;
	s5 =	sshll.u32 s5, $0x4;
	s30 =	sshrl.u32 s8, $0x1  }
0x9: {  	s9 =	sor.u32 s0, s5;
	s6 =	sadd.s32 s7, s6;
	s31 =	sshrl.u32 s29, $0x2  }
0xa: {  	s16 =	ssub.s32 s8, s30;
	s17 =	smul.u32 $0x600, s9;
	s6 =	sshrl.u32 s6, $0x3  }
0xb: {  	s16 =	smax.u32 s16, $0x1;
	s15 =	sadd.s32 s6, s4;
	s4 =	sadd.s32 s31, s2  }
0xc: {  	s14 =	sadd.s32 s14, s17;
	s17 =	simm.s32 $0x6800;
	s5 =	sadd.s32 $0x2000, s4  }
0xd: {  	s6 =	sadd.s32 $0x4000, s4;
	s7 =	sadd.s32 $0x6000, s4;
	s8 =	sadd.s32 $0x8000, s4  }
0xe: {  	s9 =	sadd.s32 $0xA000, s4;
	s10 =	sadd.s32 $0xC000, s4;
	s11 =	sadd.s32 $0xE000, s4  }
0xf: {  	v0 =	vimm.f32 $1.000000000e+00;
	s12 =	sadd.s32 $0x10000, s4;
	s13 =	sadd.s32 $0x12000, s4;
	s15 =	sadd.s32 $0xEE00, s15  }
.LBB2_1:
0x10: {  	p0 =	por $0x0, $0x0  }
0x11: {  	s21 =	simm.s32 $0x1;
	[tilespmem:s20+$0x0] =	vst v0;
	s22 =	simm.s32 $0x6800;
	s23 =	simm.s32 $0x3000;
	v1 =	vimm.f32 @!p0 $0.0e+00  }
.LBB2_2:
0x12: {  	s24 =	smov.u32 s21;
	s21 =	sadd.s32 $0x1, s21  }
0x13: {  	[tilespmem:s22+$0x0] =	vst @!p0 v1;
	s23 =	sadd.s32 $0x80, s23;
	s22 =	sadd.s32 $0x80, s22;
	p1 =	sne.s32 s21, $0x70  }
.Ltmp0:
0x14: {  	(pc) =	sbr.rel @p1 .LBB2_2-.Ltmp0, $3  }
0x15: {  	_ =	sdelay $0x1  }
0x16: {  	p0 =	sgt.u32 s24, $0x3F  }
0x17: {  	v1 =	vimm.f32 @!p0 $0.0e+00;
	[tilespmem:s23+$0x0] =	vst v0  }
0x18: {  	[tilespmem:s22+$0x0] =	vst @!p0 v1  }
0x19: {  	[spmem:s4] =	stream.linear.scatter [tilespmem:s17], [sflag:$0x1], $0x2000, $0x38;
	[tilespmem:$0xB000] =	vst v63  }
0x1a: {  	_ =	swait.ge [sflag:s18], $0x2000  }
0x1b: {  	[sflag:s18] =	ssyncset.done $0x0  }
0x1c: {  	[sflag:s18] =	ssyncadd.s32 $0xFFFFE000  }
0x1d: {  	[spmem:s5] =	stream.linear.scatter [tilespmem:s17], [sflag:$0x1], $0x2000, $0x38;
	[tilespmem:$0xB000] =	vst v63  }
0x1e: {  	_ =	swait.ge [sflag:s18], $0x2000  }
0x1f: {  	[sflag:s18] =	ssyncset.done $0x0  }
0x20: {  	[sflag:s18] =	ssyncadd.s32 $0xFFFFE000  }
0x21: {  	[spmem:s6] =	stream.linear.scatter [tilespmem:s17], [sflag:$0x1], $0x2000, $0x38;
	[tilespmem:$0xB000] =	vst v63  }
0x22: {  	_ =	swait.ge [sflag:s18], $0x2000  }
0x23: {  	[sflag:s18] =	ssyncset.done $0x0  }
0x24: {  	[sflag:s18] =	ssyncadd.s32 $0xFFFFE000  }
0x25: {  	[spmem:s7] =	stream.linear.scatter [tilespmem:s17], [sflag:$0x1], $0x2000, $0x38;
	[tilespmem:$0xB000] =	vst v63  }
0x26: {  	_ =	swait.ge [sflag:s18], $0x2000  }
0x27: {  	[sflag:s18] =	ssyncset.done $0x0  }
0x28: {  	[sflag:s18] =	ssyncadd.s32 $0xFFFFE000  }
0x29: {  	[spmem:s8] =	stream.linear.scatter [tilespmem:s17], [sflag:$0x1], $0x2000, $0x38;
	[tilespmem:$0xB000] =	vst v63  }
0x2a: {  	_ =	swait.ge [sflag:s18], $0x2000  }
0x2b: {  	[sflag:s18] =	ssyncset.done $0x0  }
0x2c: {  	[sflag:s18] =	ssyncadd.s32 $0xFFFFE000  }
0x2d: {  	[spmem:s9] =	stream.linear.scatter [tilespmem:s17], [sflag:$0x1], $0x2000, $0x38;
	[tilespmem:$0xB000] =	vst v63  }
0x2e: {  	_ =	swait.ge [sflag:s18], $0x2000  }
0x2f: {  	[sflag:s18] =	ssyncset.done $0x0  }
0x30: {  	[sflag:s18] =	ssyncadd.s32 $0xFFFFE000  }
0x31: {  	[spmem:s10] =	stream.linear.scatter [tilespmem:s17], [sflag:$0x1], $0x2000, $0x38;
	[tilespmem:$0xB000] =	vst v63  }
0x32: {  	_ =	swait.ge [sflag:s18], $0x2000  }
0x33: {  	[sflag:s18] =	ssyncset.done $0x0  }
0x34: {  	[sflag:s18] =	ssyncadd.s32 $0xFFFFE000  }
0x35: {  	[spmem:s11] =	stream.linear.scatter [tilespmem:s17], [sflag:$0x1], $0x2000, $0x38;
	[tilespmem:$0xB000] =	vst v63  }
0x36: {  	_ =	swait.ge [sflag:s18], $0x2000  }
0x37: {  	[sflag:s18] =	ssyncset.done $0x0  }
0x38: {  	[sflag:s18] =	ssyncadd.s32 $0xFFFFE000  }
0x39: {  	[spmem:s12] =	stream.linear.scatter [tilespmem:s17], [sflag:$0x1], $0x2000, $0x38;
	[tilespmem:$0xB000] =	vst v63  }
0x3a: {  	_ =	swait.ge [sflag:s18], $0x2000  }
0x3b: {  	[sflag:s18] =	ssyncset.done $0x0  }
0x3c: {  	[sflag:s18] =	ssyncadd.s32 $0xFFFFE000  }
0x3d: {  	[spmem:s13] =	stream.linear.scatter [tilespmem:s17], [sflag:$0x1], $0x2000, $0x38;
	[tilespmem:$0xB000] =	vst v63  }
0x3e: {  	_ =	swait.ge [sflag:s18], $0x2000  }
0x3f: {  	[sflag:s18] =	ssyncset.done $0x0  }
0x40: {  	s21 =	simm.s32 $0x0;
	[sflag:s18] =	ssyncadd.s32 $0xFFFFE000  }
0x41: {  	[tilespmem:s21], [sflag:$0x1] =	stream.linear.gather [hbm4b:s14+s21], $0x3000, $0x38;
	[tilespmem:$0xB000] =	vst v63  }
0x42: {  	_ =	swait.ge [sflag:s18], $0x3000  }
0x43: {  	[sflag:s18] =	ssyncset.done $0x0  }
0x44: {  	[sflag:s18] =	ssyncadd.s32 $0xFFFFD000  }
0x45: {  	s31 =	simm.s32 $0x0;
	[bflag:$0x0] =	sbarrier.arrive $0xFFFF  }
0x46: {  	[spmem:s2] =	stream.indirect.scatter.add.f32 [tilespmem:s20], [sflag:$0x1], $0x10, s31, s19, $0xb8;
	[tilespmem:$0xB000] =	vst v63  }
0x47: {  	_ =	swait.ge [sflag:s18], $0x700  }
0x48: {  	s21 =	simm.s32 $0x200;
	[sflag:s18] =	ssyncset.done $0x0  }
.LBB2_4:
0x49: {  	s22 =	sshra.s32 s21, $0x2;
	[sflag:s18] =	ssyncadd.s32 $0xFFFFF900;
	p0 =	sne.s32 s21, $0xB200  }
0x4a: {  	[spmem:s2] =	stream.indirect.scatter.add.f32 [tilespmem:s20], [sflag:$0x1], $0x10, s22, s19, $0xb8;
	[tilespmem:$0xB000] =	vst v63  }
.Ltmp1:
0x4b: {  	_ = 	snop;
	(pc) =	sbr.rel @p0 .LBB2_4-.Ltmp1, $4  }
0x4c: {  	_ = 	snop  }
0x4d: {  	s21 =	sadd.s32 $0x200, s21  }
0x4e: {  	_ =	swait.ge [sflag:s18], $0x700  }
0x4f: {  	[sflag:s18] =	ssyncset.done $0x0  }
0x50: {  	[sflag:s18] =	ssyncadd.s32 $0xFFFFF900;
	s3 =	sadd.s32 $0x1, s3  }
0x51: {  	s21 =	sshll.u32 s0, $0x6;
	s22 =	sshrl.u32 s4, $0x3;
	p0 =	sne.s32 s3, s16  }
.Ltmp2:
0x52: {  	[bflag:$0x0] =	sbarrier.arrive $0xFFFF;
	s21 =	sor.u32 $0x1C01, s21;
	(pc) =	sbr.rel @p0 .LBB2_1-.Ltmp2, $4  }
0x53: {  	[hbm:s15], [sflag:s21] =	dma.local [spmem:s22], $0x2800  }
0x54: {  	_ =	swait.ge [sflag:s18], $0x2800  }
0x55: {  	[sflag:s18] =	ssyncset.done $0x0  }
0x56: {  	[sflag:s18] =	ssyncadd.s32 $0xFFFFD800  }
0x57: {  	_ =	sfence.sel $0x180000  }
0x58: {  	[bflag:$0x0] =	sbarrier.arrive $0xFFFF  }
0x59: {  	p0 =	sne.s32 s0, $0x0;
	_ =	strace $0x90000047  }
0x5a: {  	s0 =	sadd.s32 @!p0 $0x100000, s1;
	[bflag:$0x2] =	sbarrier.arrive $0xFFFF  }
0x5b: {  	[sflag:s0] =	ssyncadd.tile.s32 @!p0 $0x1;
	_ =	shalt  }
.Lfunc_end2:
_tile_overlayer_lowered:
.L_overlay_start_2:
0x5c: {  	(tag) =	ssettag $0x2  }
0x5d: {  	s0 =	rddreg [dreg:$0x0];
	s2 =	stileid.u32  }
0x5e: {  	s1 =	rddreg [dreg:$0x1];
	p0 =	sne.s32 s2, $0x0  }
0x5f: {  	s3 =	rddreg [dreg:$0x2];
	[bflag:$0x3] =	sbarrier.arrive $0xFFFF;
	s2 =	simm.s32 @!p0 $0x1C01  }
0x60: {  	[timem:s3], [sflag:s2] =	dma.local @!p0 [hbm:s0], s1  }
0x61: {  	s0 =	simm.s32 @!p0 $0x1  }
0x62: {  	_ =	swait.ge @!p0 [sflag:s0], s1  }
0x63: {  	s1 =	ssub.s32 @!p0 $0x0, s1;
	[sflag:s0] =	ssyncset.done @!p0 $0x0  }
0x64: {  	[sflag:s0] =	ssyncadd.s32 @!p0 s1  }
0x65: {  	[bflag:$0x3] =	sbarrier.arrive $0xFFFF  }
0x66: {  	_ =	shalt  }

// kernel: kernel.9.cloned.1.call-start
scs
__scs_entry_jumppad:
0x0: {  	(pc) =	sbr.rel $0x88, $3  }
0x1: {  	(tag) =	ssettag $0x0;
	lr =	simm.s32 $0x1  }
0x2: {  	[smem:$0x3F99] =	sst lr;
	_ =	strace $0xD0000000  }
0x3: {  	_ = 	snop  }
0x4: {  	_ = 	snop  }
0x5: {  	_ = 	snop  }
0x6: {  	_ = 	snop  }
0x7: {  	_ = 	snop  }
__scs_overlays_trampoline_lowered:
0x8: {  	[smem:$0x3FA8] =	sst s0  }
0x9: {  	[smem:$0x3FA9] =	sst s1  }
0xa: {  	[smem:$0x3FAA] =	sst s2  }
0xb: {  	[smem:$0x3FAB] =	sst s3  }
0xc: {  	[smem:$0x3FAC] =	sst s4  }
0xd: {  	[smem:$0x3FAD] =	sst s5  }
0xe: {  	[smem:$0x3FAE] =	sst s6  }
0xf: {  	[smem:$0x3FAF] =	sst s7  }
0x10: {  	[smem:$0x3FB0] =	sst s8  }
0x11: {  	[smem:$0x3FB1] =	sst s9;
	s0 =	simm.s32 @!p0 $0x0  }
0x12: {  	s1 =	sld [smem:$0x3F97];
	s0 =	simm.s32 @p0 $0x1  }
0x13: {  	[smem:$0x3FB2] =	sst s0;
	s0 =	simm.s32 @!p1 $0x0  }
0x14: {  	s2 =	sld [smem:$0x3F96];
	s0 =	simm.s32 @p1 $0x1  }
0x15: {  	[smem:$0x3FB3] =	sst s0;
	s0 =	simm.s32 @!p2 $0x0  }
0x16: {  	s3 =	sld [smem:$0x3FDB];
	s0 =	simm.s32 @p2 $0x1  }
0x17: {  	s4 =	simm.s32 $0x1BF5;
	[smem:$0x3FB5] =	sst s0  }
0x18: {  	s0 =	sld [smem:$0x3F98];
	_ =	swait.ge [sflag:s4], $0x0  }
0x19: {  	s7 =	sld [smem:$0x3F99]  }
0x1a: {  	s8 =	sadd.s32 $0xFFFFE003, lr  }
0x1b: {  	s9 =	sadd.s32 $0xFFFFFEF7, lr;
	s5 =	simm.s32 $0xFFFFFFFF;
	p2 =	slt.u32 s8, $0xFFFFF086  }
0x1c: {  	p1 =	slt.u32 s9, $0xF7A;
	s5 =	simm.s32 @!p2 $0x0  }
0x1d: {  	s5 =	simm.s32 @p1 $0x1;
	p0 =	seq.s32 s7, s2  }
0x1e: {  	s7 =	smul.u32 @!p0 $0xF7A, s2;
	p2 =	seq.s32 @!p0 s5, $0x0  }
0x1f: {  	s9 =	smul.u32 $0xF7A, s1;
	s8 =	simm.s32 @!p0 $0x1BF5;
	p2 =	por !p2, p0  }
0x20: {  	[sflag:s8] =	ssyncset.s32 @!p0 $0xFFFFF086;
	s6 =	sadd.s32 @!p0 s3, s7;
	s7 =	simm.s32 @!p0 $0x108  }
0x21: {  	s3 =	sadd.s32 s3, s9;
	s6 =	sadd.s32 @!p0 $0x88, s6;
	s7 =	simm.s32 @p2 $0x1082  }
0x22: {  	[simem:s7], [sflag:s8] =	dma.local @!p0 [hbm:s6], $0xF7A  }
0x23: {  	s9 =	sor.u32 $0xD0000000, s2;
	s6 =	simm.s32 $0x108;
	_ =	swait.ge @!p0 [sflag:s8], $0x0  }
0x24: {  	s3 =	sadd.s32 $0x88, s3;
	s6 =	simm.s32 @!p1 $0x1082;
	[sflag:s4] =	ssyncset.s32 $0xFFFFF086  }
0x25: {  	[simem:s6], [sflag:s4] =	dma.local [hbm:s3], $0xF7A  }
0x26: {  	[smem:$0x3F99] =	sst s1;
	(tag) =	ssettag s2;
	_ =	strace s9  }
0x27: {  	s1 =	sld [smem:$0x3FA9]  }
0x28: {  	s2 =	sld [smem:$0x3FAA]  }
0x29: {  	s4 =	sld [smem:$0x3FAC]  }
0x2a: {  	p0 =	seq.s32 s5, $0x0;
	s5 =	sld [smem:$0x3FAD]  }
0x2b: {  	s6 =	sld [smem:$0x3FAE]  }
0x2c: {  	s7 =	sld [smem:$0x3FAF]  }
0x2d: {  	s3 =	simm.s32 $0x108;
	s8 =	sld [smem:$0x3FB0]  }
0x2e: {  	s3 =	simm.s32 @!p0 $0x1082;
	s9 =	sld [smem:$0x3FB1]  }
0x2f: {  	lr =	sadd.s32 s0, s3;
	s0 =	sld [smem:$0x3FA8]  }
0x30: {  	s3 =	sld [smem:$0x3FAB]  }
0x31: {  	[smem:$0x3FB4] =	sst s10  }
0x32: {  	s10 =	sld [smem:$0x3FB2];
	_ =	sdelay $0x3  }
0x33: {  	p0 =	seq.s32 s10, $0x1;
	s10 =	sld [smem:$0x3FB4];
	_ =	sdelay $0x3  }
0x34: {  	[smem:$0x3FB4] =	sst s10  }
0x35: {  	s10 =	sld [smem:$0x3FB3];
	_ =	sdelay $0x3  }
0x36: {  	p1 =	seq.s32 s10, $0x1;
	s10 =	sld [smem:$0x3FB4];
	_ =	sdelay $0x3  }
0x37: {  	[smem:$0x3FB4] =	sst s10  }
0x38: {  	s10 =	sld [smem:$0x3FB5]  }
0x39: {  	_ = 	snop;
	(pc) =	sbr.ind lr, $3  }
0x3a: {  	_ = 	snop  }
0x3b: {  	_ = 	snop  }
0x3c: {  	p2 =	seq.s32 s10, $0x1;
	s10 =	sld [smem:$0x3FB4]  }
0x3d: {  	_ =	shalt  }
0x3e: {  	_ =	shalt  }
0x3f: {  	_ =	shalt  }
0x40: {  	_ =	shalt  }
0x41: {  	_ =	shalt  }
0x42: {  	_ =	shalt  }
0x43: {  	_ =	shalt  }
0x44: {  	_ =	shalt  }
0x45: {  	_ =	shalt  }
0x46: {  	_ =	shalt  }
0x47: {  	_ =	shalt  }
0x48: {  	_ =	shalt  }
0x49: {  	_ =	shalt  }
0x4a: {  	_ =	shalt  }
0x4b: {  	_ =	shalt  }
0x4c: {  	_ =	shalt  }
0x4d: {  	_ =	shalt  }
0x4e: {  	_ =	shalt  }
0x4f: {  	_ =	shalt  }
0x50: {  	_ =	shalt  }
0x51: {  	_ =	shalt  }
0x52: {  	_ =	shalt  }
0x53: {  	_ =	shalt  }
0x54: {  	_ =	shalt  }
0x55: {  	_ =	shalt  }
0x56: {  	_ =	shalt  }
0x57: {  	_ =	shalt  }
0x58: {  	_ =	shalt  }
0x59: {  	_ =	shalt  }
0x5a: {  	_ =	shalt  }
0x5b: {  	_ =	shalt  }
0x5c: {  	_ =	shalt  }
0x5d: {  	_ =	shalt  }
0x5e: {  	_ =	shalt  }
0x5f: {  	_ =	shalt  }
0x60: {  	_ =	shalt  }
0x61: {  	_ =	shalt  }
0x62: {  	_ =	shalt  }
0x63: {  	_ =	shalt  }
0x64: {  	_ =	shalt  }
0x65: {  	_ =	shalt  }
0x66: {  	_ =	shalt  }
0x67: {  	_ =	shalt  }
0x68: {  	_ =	shalt  }
0x69: {  	_ =	shalt  }
0x6a: {  	_ =	shalt  }
0x6b: {  	_ =	shalt  }
0x6c: {  	_ =	shalt  }
0x6d: {  	_ =	shalt  }
0x6e: {  	_ =	shalt  }
0x6f: {  	_ =	shalt  }
0x70: {  	_ =	shalt  }
0x71: {  	_ =	shalt  }
0x72: {  	_ =	shalt  }
0x73: {  	_ =	shalt  }
0x74: {  	_ =	shalt  }
0x75: {  	_ =	shalt  }
0x76: {  	_ =	shalt  }
0x77: {  	_ =	shalt  }
0x78: {  	_ =	shalt  }
0x79: {  	_ =	shalt  }
0x7a: {  	_ =	shalt  }
0x7b: {  	_ =	shalt  }
0x7c: {  	_ =	shalt  }
0x7d: {  	_ =	shalt  }
0x7e: {  	_ =	shalt  }
0x7f: {  	_ =	shalt  }
0x80: {  	_ =	shalt  }
0x81: {  	_ =	shalt  }
0x82: {  	_ =	shalt  }
0x83: {  	_ =	shalt  }
0x84: {  	_ =	shalt  }
0x85: {  	_ =	shalt  }
0x86: {  	_ =	shalt  }
0x87: {  	_ =	shalt  }
.Lfunc_end0:
.L_simem_size_0:
called_computation.1_lowered:
.L_overlay_start_0:
0x88: {  	s2 =	sld [smem:$0x3FD9]  }
0x89: {  	s3 =	sld [smem:$0x3FFE];
	_ =	sdelay $0x1  }
0x8a: {  	s1 =	srdreg.scid  }
0x8b: {  	s0 =	sand.u32 $0x1, s1  }
0x8c: {  	s17 =	sshll.u32 s0, $0xA;
	s2 =	sadd.s32 s3, s2  }
0x8d: {  	s2 =	sadd.s32 s2, s17  }
0x8e: {  	[smem:$0x3FC0] =	sst s2  }
0x8f: {  	_ = 	snop  }
0x90: {  	s2 =	sld [smem:$0x3FD0];
	(tm) =	ssettm $0x1  }
0x91: {  	s18 =	sld [smem:$0x3FFB];
	_ =	sdelay $0x3  }
0x92: {  	_ =	strace s18  }
0x93: {  	s3 =	sld [smem:$0x3FFC];
	_ =	sdelay $0x3  }
0x94: {  	_ =	strace s3  }
0x95: {  	s3 =	sld [smem:$0x3FFD];
	_ =	sdelay $0x3  }
0x96: {  	_ =	strace s3  }
0x97: {  	_ =	strace $0x8FFFFFFF  }
0x98: {  	s19 =	sld [smem:$0x3FDB];
	_ =	sdelay $0x1  }
0x99: {  	s4 =	simm.s32 $_scs_section_size  }
0x9a: {  	s5 =	simm.s32 $_size__tile_overlayer_lowered;
	s6 =	simm.s32 $_tile_overlayer_lowered  }
0x9b: {  	s22 =	simm.s32 $0x1BFF;
	s21 =	sshll.u32 s6, $0x1;
	s3 =	sadd.s32 s4, s19  }
0x9c: {  	s7 =	simm.s32 $0x0;
	s20 =	sshll.u32 s5, $0x1;
	s5 =	sadd.s32 s21, s3  }
0x9d: {  	[timem:s7], [sflag:s22] =	dma.local [hbm:s5], s20  }
0x9e: {  	_ =	swait.ge [sflag:s22], s20  }
0x9f: {  	s4 =	ssub.s32 $0x0, s20;
	[sflag:s22] =	ssyncset.done $0x0  }
0xa0: {  	[sflag:s22] =	ssyncadd.s32 s4;
	_ =	sdelay $0x1  }
0xa1: {  	s23 =	simm.s32 $0x1B8B  }
0xa2: {  	_ =	swait.ge [sflag:s23], $0x1  }
0xa3: {  	[sflag:s23] =	ssyncset.done $0x0  }
0xa4: {  	s25 =	simm.s32 $0x1B8E;
	s24 =	sld [smem:$0x3FFE];
	[sflag:s23] =	ssyncadd.s32 $0xFFFFFFFF  }
0xa5: {  	s26 =	simm.s32 $execute0_lowered;
	[smem:$0x3FD2] =	sst s25  }
0xa6: {  	s5 =	sshll.u32 s26, $0x1;
	_ =	strace $0x80000049;
	[dreg:$0x1] =	wrdreg $0xFFFFFFFF  }
0xa7: {  	s28 =	simm.s32 $_size_execute0_lowered;
	s3 =	sadd.s32 s3, s5;
	[dreg:$0x0] =	wrdreg $0x0  }
0xa8: {  	s5 =	sshll.u32 s28, $0x1;
	[dreg:$0x2] =	wrdreg s3  }
0xa9: {  	[dreg:$0x3] =	wrdreg s5  }
0xaa: {  	[dreg:$0x4] =	wrdreg $0xC0  }
0xab: {  	_ =	task [dreg:s7], $0x5FFFF  }
0xac: {  	[dreg:$0x1] =	wrdreg $0xFFFFFFFF  }
0xad: {  	[dreg:$0x0] =	wrdreg $0x60  }
0xae: {  	[dreg:$0x2] =	wrdreg s24  }
0xaf: {  	[dreg:$0x3] =	wrdreg s2  }
0xb0: {  	[dreg:$0x4] =	wrdreg $0xB8000  }
0xb1: {  	[dreg:$0x5] =	wrdreg $0x9  }
0xb2: {  	_ =	task.clear_ibuf [dreg:s7], $0x6FFFF;
	_ =	strace $0x90000049  }
0xb3: {  	s29 =	simm.s32 $0x9;
	_ =	strace $0x8000004B  }
0xb4: {  	_ =	swait.ge [sflag:s29], $0x1  }
0xb5: {  	[sflag:s29] =	ssyncadd.s32 $0xFFFFFFFF  }
0xb6: {  	_ =	strace $0x9000004B  }
0xb7: {  	_ =	sfence  }
0xb8: {  	s30 =	sld [smem:$0x0];
	_ =	sdelay $0x2  }
0xb9: {  	s31 =	sshll.u32 s1, $0xD;
	s1 =	sshrl.u32 s1, $0x2  }
0xba: {  	s3 =	sand.u32 $0x4000, s31;
	s1 =	sadd.s32 s1, s30  }
0xbb: {  	s0 =	sor.u32 s3, s0;
	s1 =	sshll.u32 s1, $0x11  }
0xbc: {  	s0 =	sor.u32 s1, s0  }
0xbd: {  	s0 =	sadd.s32 $0x8F2B, s0  }
0xbe: {  	[sflag:s0] =	ssyncadd.remote.s32 $0x1  }
0xbf: {  	_ =	sfence.sel $0xFFFF  }
0xc0: {  	[dreg:$0x0] =	wrdreg $0xFFFFFFFF;
	(pc) =	sbr.abs _section_cstart, $3  }
0xc1: {  	[dreg:$0x1] =	wrdreg $0xFFFFFFFF  }
0xc2: {  	_ =	task.clear_ibuf [dreg:s7], $0x2FFFF;
	_ =	strace $0x9FFFFFFF  }
0xc3: {  	(tm) =	ssettm $0x7FFFFFFF  }
tec
execute0_lowered:
.L_overlay_start_1:
0x0: {  	(tag) =	ssettag $0x1  }
0x1: {  	s0 =	rddreg [dreg:$0x0]  }
0x2: {  	s2 =	rddreg [dreg:$0x1];
	s1 =	srdreg.scid  }
0x3: {  	s3 =	rddreg [dreg:$0x2];
	s25 =	stileid.u32;
	s4 =	simm.s32 $0x0  }
0x4: {  	s18 =	simm.s32 $0x1000;
	s19 =	simm.s32 $0x5;
	s21 =	simm.s32 $0x70  }
0x5: {  	s23 =	simm.s32 $0x4800;
	s28 =	simm.s32 $0x2;
	s8 =	smul.u32 $0x13C00, s25  }
0x6: {  	s29 =	simm.s32 $0x3;
	s7 =	sand.u32 $0x1, s1;
	s9 =	smul.u32 $0x4F000, s25  }
0x7: {  	[smem:$0x7FF] =	sst s4;
	s5 =	sadd.s32 $0x2E00, s0;
	s6 =	smul.u32 $0x13C000, s7  }
0x8: {  	_ =	strace $0x8000004A;
	s26 =	ssub.s32 $0x2, s7;
	s7 =	sshll.u32 s7, $0x4  }
0x9: {  	s10 =	sshrl.u32 s26, $0x1;
	s11 =	sor.u32 s25, s7;
	s30 =	sshrl.u32 s9, $0x2  }
0xa: {  	s25 =	simm.s32 $0x8000;
	s8 =	sadd.s32 s8, s6;
	s6 =	sadd.s32 $0x5EE00, s0  }
0xb: {  	s17 =	ssub.s32 s26, s10;
	s7 =	sadd.s32 s30, s3;
	s26 =	simm.s32 $0x1  }
.Ltmp0:
0xc: {  	s8 =	sshrl.u32 s8, $0x3;
	s31 =	sadd.s32 $0x3800, s7;
	(pc) =	sbr.rel .LBB2_1-.Ltmp0, $4  }
0xd: {  	s10 =	sadd.s32 $0x7000, s7;
	s0 =	sadd.s32 s8, s0;
	s8 =	smul.u32 $0x3000, s11  }
0xe: {  	s12 =	sadd.s32 $0xE000, s7;
	s13 =	sadd.s32 $0x11800, s7;
	s17 =	smax.u32 s17, $0x1  }
0xf: {  	[dreg:$0x4] =	wrdreg s31;
	s11 =	sadd.s32 $0xA800, s7;
	s15 =	sshrl.u32 s8, $0x3  }
0x10: {  	v0 =	vimm.f32 $0.0e+00;
	s16 =	sadd.s32 $0x86000, s0;
	s14 =	sadd.s32 s5, s15;
	s15 =	sadd.s32 s2, s15  }
.LBB2_6:
0x11: {  	s0 =	stileid.u32;
	s4 =	sadd.s32 $0x1, s4  }
0x12: {  	[bflag:$0x0] =	sbarrier.arrive $0xFFFF;
	s0 =	sshll.u32 s0, $0x6;
	p0 =	sne.s32 s4, s17  }
.Ltmp1:
0x13: {  	s1 =	sshrl.u32 s7, $0x3;
	s0 =	sor.u32 $0x1C05, s0;
	(pc) =	sbr.rel @!p0 .LBB2_7-.Ltmp1, $4  }
0x14: {  	[hbm:s16], [sflag:s0] =	dma.local [spmem:s1], $0x2780  }
0x15: {  	_ =	swait.ge [sflag:s19], $0x2780  }
0x16: {  	[sflag:s19] =	ssyncset.done $0x0  }
0x17: {  	[sflag:s19] =	ssyncadd.s32 $0xFFFFD880  }
.LBB2_1:
0x18: {  	s0 =	simm.s32 $0x0;
	s30 =	simm.s32 $0x200  }
.LBB2_2:
0x19: {  	p0 =	sne.s32 s30, $0xDE00;
	[tilespmem:s0+$0x1070] =	vst v0  }
0x1a: {  	[tilespmem:s0+$0x1000] =	vst v0  }
0x1b: {  	[tilespmem:s0+$0x1010] =	vst v0  }
.Ltmp2:
0x1c: {  	[tilespmem:s0+$0x1020] =	vst v0;
	(pc) =	sbr.rel @p0 .LBB2_2-.Ltmp2, $4  }
0x1d: {  	[tilespmem:s0+$0x1030] =	vst v0  }
0x1e: {  	[tilespmem:s0+$0x1040] =	vst v0  }
0x1f: {  	[tilespmem:s0+$0x1050] =	vst v0  }
0x20: {  	[tilespmem:s0+$0x1060] =	vst v0;
	s0 =	sshra.s32 s30, $0x2;
	s30 =	sadd.s32 $0x200, s30  }
0x21: {  	[tilespmem:s0+$0x1070] =	vst v0  }
0x22: {  	[tilespmem:s0+$0x1000] =	vst v0  }
0x23: {  	[tilespmem:s0+$0x1010] =	vst v0  }
0x24: {  	[tilespmem:s0+$0x1020] =	vst v0  }
0x25: {  	[tilespmem:s0+$0x1030] =	vst v0  }
0x26: {  	[tilespmem:s0+$0x1040] =	vst v0  }
0x27: {  	[tilespmem:s0+$0x1050] =	vst v0  }
0x28: {  	[tilespmem:s0+$0x1060] =	vst v0  }
0x29: {  	[spmem:s7] =	stream.linear.scatter [tilespmem:s18], [sflag:$0x5], $0x3800, $0x38;
	[tilespmem:$0x1F400] =	vst v63  }
0x2a: {  	_ =	swait.ge [sflag:s19], $0x3800  }
0x2b: {  	[sflag:s19] =	ssyncset.done $0x0  }
0x2c: {  	s22 =	rddreg [dreg:$0x4];
	[sflag:s19] =	ssyncadd.s32 $0xFFFFC800  }
0x2d: {  	[spmem:s22] =	stream.linear.scatter [tilespmem:s18], [sflag:$0x5], $0x3800, $0x38;
	[tilespmem:$0x1F400] =	vst v63  }
0x2e: {  	_ =	swait.ge [sflag:s19], $0x3800  }
0x2f: {  	[sflag:s19] =	ssyncset.done $0x0  }
0x30: {  	[sflag:s19] =	ssyncadd.s32 $0xFFFFC800  }
0x31: {  	[spmem:s10] =	stream.linear.scatter [tilespmem:s18], [sflag:$0x5], $0x3800, $0x38;
	[tilespmem:$0x1F400] =	vst v63  }
0x32: {  	_ =	swait.ge [sflag:s19], $0x3800  }
0x33: {  	[sflag:s19] =	ssyncset.done $0x0  }
0x34: {  	[sflag:s19] =	ssyncadd.s32 $0xFFFFC800  }
0x35: {  	[spmem:s11] =	stream.linear.scatter [tilespmem:s18], [sflag:$0x5], $0x3800, $0x38;
	[tilespmem:$0x1F400] =	vst v63  }
0x36: {  	_ =	swait.ge [sflag:s19], $0x3800  }
0x37: {  	[sflag:s19] =	ssyncset.done $0x0  }
0x38: {  	[sflag:s19] =	ssyncadd.s32 $0xFFFFC800  }
0x39: {  	[spmem:s12] =	stream.linear.scatter [tilespmem:s18], [sflag:$0x5], $0x3800, $0x38;
	[tilespmem:$0x1F400] =	vst v63  }
0x3a: {  	_ =	swait.ge [sflag:s19], $0x3800  }
0x3b: {  	[sflag:s19] =	ssyncset.done $0x0  }
0x3c: {  	[sflag:s19] =	ssyncadd.s32 $0xFFFFC800  }
0x3d: {  	[spmem:s13] =	stream.linear.scatter [tilespmem:s18], [sflag:$0x5], $0x2400, $0x38;
	[tilespmem:$0x1F400] =	vst v63  }
0x3e: {  	_ =	swait.ge [sflag:s19], $0x2400  }
0x3f: {  	[sflag:s19] =	ssyncset.done $0x0  }
0x40: {  	s0 =	simm.s32 $0x0;
	[sflag:s19] =	ssyncadd.s32 $0xFFFFDC00  }
0x41: {  	[tilespmem:s0], [sflag:$0x5] =	stream.linear.gather [hbm4b:s14+s0], $0x400, $0x38;
	[tilespmem:$0x1F400] =	vst v63  }
0x42: {  	_ =	swait.ge [sflag:s19], $0x400  }
0x43: {  	[sflag:s19] =	ssyncset.done $0x0  }
0x44: {  	s1 =	simm.s32 $0x800;
	[sflag:s19] =	ssyncadd.s32 $0xFFFFFC00  }
0x45: {  	[tilespmem:s1], [sflag:$0x5] =	stream.linear.gather [hbm4b:s15+s0], $0x400, $0x38;
	[tilespmem:$0x1F400] =	vst v63  }
0x46: {  	_ =	swait.ge [sflag:s19], $0x400  }
0x47: {  	[sflag:s19] =	ssyncset.done $0x0  }
0x48: {  	[sflag:s19] =	ssyncadd.s32 $0xFFFFFC00  }
0x49: {  	[bflag:$0x0] =	sbarrier.arrive $0xFFFF  }
0x4a: {  	[tilespmem:s18], [sflag:$0x1] =	stream.indirect.gather [hbm4b:s6+s21], $0x80, s0, s21, $0xb8;
	[tilespmem:$0x1F400] =	vst v63  }
0x4b: {  	s24 =	simm.s32 $0x80  }
0x4c: {  	[tilespmem:s23], [sflag:$0x2] =	stream.indirect.gather [hbm4b:s6+s21], $0x80, s24, s21, $0xb8;
	[tilespmem:$0x1F400] =	vst v63  }
0x4d: {  	s30 =	simm.s32 $0x100;
	s31 =	simm.s32 $0x0  }
0x4e: {  	[tilespmem:s25], [sflag:$0x3] =	stream.indirect.gather [hbm4b:s6+s21], $0x80, s30, s21, $0xb8;
	[tilespmem:$0x1F400] =	vst v63  }
.LBB2_4:
0x4f: {  	s30 =	sand.u32 $0x7, s31  }
0x50: {  	p0 =	sgt.u32 s30, $0x2  }
0x51: {  	p1 =	sgt.u32 @p0 s30, $0x5  }
0x52: {  	p1 =	por p1, !p0  }
0x53: {  	s1 =	simm.s32 @!p1 $0x4  }
0x54: {  	_ =	swait.ge @!p1 [sflag:s1], $0x400  }
0x55: {  	s20 =	sshrl.u32 s31, $0x3;
	[sflag:s1] =	ssyncset.done @!p1 $0x0  }
0x56: {  	s22 =	sshll.u32 @!p0 s20, $0xA;
	[sflag:s1] =	ssyncadd.s32 @!p1 $0xFFFFFC00  }
0x57: {  	s22 =	sadd.s32 @!p0 $0x400, s22;
	_ =	swait.ge @!p1 [sflag:s1], $0x400  }
0x58: {  	s24 =	sadd.s32 @!p0 s8, s22;
	[sflag:s1] =	ssyncset.done @!p1 $0x0  }
0x59: {  	[sflag:s1] =	ssyncadd.s32 @!p1 $0xFFFFFC00;
	s1 =	sshrl.u32 @!p0 s24, $0x3  }
0x5a: {  	s9 =	simm.s32 @!p0 $0x0;
	s22 =	sand.u32 @!p0 $0x400, s22;
	s24 =	sadd.s32 @!p0 s5, s1  }
0x5b: {  	[tilespmem:s22], [sflag:$0x4] =	stream.linear.gather @!p0 [hbm4b:s24+s9], $0x400, $0x38;
	[tilespmem:$0x1F400] =	vst v63  }
0x5c: {  	s1 =	sadd.s32 @!p0 s2, s1;
	s22 =	sor.u32 @!p0 $0x800, s22  }
0x5d: {  	[tilespmem:s22], [sflag:$0x4] =	stream.linear.gather @!p0 [hbm4b:s1+s9], $0x400, $0x38;
	[tilespmem:$0x1F400] =	vst v63  }
0x5e: {  	s9 =	sshll.u32 s20, $0xA;
	s20 =	sshll.u32 s30, $0x7  }
0x5f: {  	p0 =	seq.s32 s31, $0x57;
	_ =	swait.ge [sflag:s26], $0x3800;
	s1 =	sand.u32 $0x400, s9  }
0x60: {  	s30 =	smov.u32 s0;
	[sflag:s26] =	ssyncset.done $0x0;
	s1 =	sor.u32 s20, s1  }
0x61: {  	s9 =	simm.s32 @!p0 $0x70;
	[sflag:s26] =	ssyncadd.s32 $0xFFFFC800;
	s1 =	sor.u32 $0x800, s1  }
0x62: {  	[spmem:s3] =	stream.indirect.scatter.add.f32 [tilespmem:s18], [sflag:$0x5], $0x80, s1, s21, $0xb8;
	[tilespmem:$0x1F400] =	vst v63  }
0x63: {  	s30 =	simm.s32 @p0 $0xAE00;
	s1 =	sadd.s32 @!p0 $0x600, s0;
	_ =	swait.ge [sflag:s19], $0x3800  }
0x64: {  	s20 =	simm.s32 @!p0 $0x1000;
	s1 =	sand.u32 @!p0 $0x1E00, s1;
	[sflag:s19] =	ssyncset.done $0x0  }
0x65: {  	s22 =	sadd.s32 $0x200, s30;
	s1 =	sshrl.u32 @!p0 s1, $0x2;
	[sflag:s19] =	ssyncadd.s32 $0xFFFFC800  }
0x66: {  	[tilespmem:s20], [sflag:$0x1] =	stream.indirect.gather @!p0 [hbm4b:s6+s9], $0x80, s1, s9, $0xb8;
	[tilespmem:$0x1F400] =	vst v63  }
0x67: {  	s1 =	sand.u32 $0x1E00, s22;
	_ =	swait.ge [sflag:s28], $0x3800  }
0x68: {  	s1 =	sshrl.u32 s1, $0x2;
	[sflag:s28] =	ssyncset.done $0x0  }
0x69: {  	s1 =	sor.u32 $0x800, s1;
	[sflag:s28] =	ssyncadd.s32 $0xFFFFC800  }
0x6a: {  	[spmem:s3] =	stream.indirect.scatter.add.f32 [tilespmem:s23], [sflag:$0x5], $0x80, s1, s21, $0xb8;
	[tilespmem:$0x1F400] =	vst v63  }
0x6b: {  	s1 =	sadd.s32 @!p0 $0x800, s30;
	_ =	swait.ge [sflag:s19], $0x3800  }
0x6c: {  	s24 =	sadd.s32 $0x400, s30;
	s1 =	sand.u32 @!p0 $0x1E00, s1;
	[sflag:s19] =	ssyncset.done $0x0  }
0x6d: {  	s20 =	simm.s32 @!p0 $0x4800;
	s1 =	sshrl.u32 @!p0 s1, $0x2;
	[sflag:s19] =	ssyncadd.s32 $0xFFFFC800  }
0x6e: {  	[tilespmem:s20], [sflag:$0x2] =	stream.indirect.gather @!p0 [hbm4b:s6+s9], $0x80, s1, s9, $0xb8;
	[tilespmem:$0x1F400] =	vst v63  }
0x6f: {  	s1 =	sand.u32 $0x1E00, s24;
	_ =	swait.ge [sflag:s29], $0x3800  }
0x70: {  	s1 =	sshrl.u32 s1, $0x2;
	[sflag:s29] =	ssyncset.done $0x0  }
.Ltmp3:
0x71: {  	s1 =	sor.u32 $0x800, s1;
	[sflag:s29] =	ssyncadd.s32 $0xFFFFC800;
	(pc) =	sbr.rel @p0 .LBB2_6-.Ltmp3, $4  }
0x72: {  	[spmem:s3] =	stream.indirect.scatter.add.f32 [tilespmem:s25], [sflag:$0x5], $0x80, s1, s21, $0xb8;
	[tilespmem:$0x1F400] =	vst v63  }
0x73: {  	_ =	swait.ge [sflag:s19], $0x3800  }
0x74: {  	[sflag:s19] =	ssyncset.done $0x0  }
0x75: {  	[sflag:s19] =	ssyncadd.s32 $0xFFFFC800  }
.Ltmp4:
0x76: {  	(pc) =	sbr.rel .LBB2_4-.Ltmp4, $4  }
0x77: {  	s1 =	sadd.s32 $0xA00, s30  }
0x78: {  	s1 =	sand.u32 $0x1E00, s1  }
0x79: {  	s0 =	sadd.s32 $0x600, s0;
	s31 =	sadd.s32 $0x3, s31;
	s1 =	sshrl.u32 s1, $0x2  }
0x7a: {  	[tilespmem:s25], [sflag:$0x3] =	stream.indirect.gather [hbm4b:s6+s21], $0x80, s1, s21, $0xb8;
	[tilespmem:$0x1F400] =	vst v63  }
.LBB2_7:
0x7b: {  	_ =	sfence.sel $0x180000  }
0x7c: {  	[bflag:$0x0] =	sbarrier.arrive $0xFFFF  }
0x7d: {  	_ =	strace $0x9000004A  }
0x7e: {  	s0 =	stileid.u32;
	[bflag:$0x2] =	sbarrier.arrive $0xFFFF  }
0x7f: {  	p0 =	sne.s32 s0, $0x0;
	s0 =	rddreg [dreg:$0x3]  }
0x80: {  	s0 =	sadd.s32 @!p0 $0x100000, s0  }
0x81: {  	[sflag:s0] =	ssyncadd.tile.s32 @!p0 $0x1;
	_ =	shalt  }
.Lfunc_end2:
_tile_overlayer_lowered:
.L_overlay_start_2:
0x82: {  	(tag) =	ssettag $0x2  }
0x83: {  	s0 =	rddreg [dreg:$0x0];
	s2 =	stileid.u32  }
0x84: {  	s1 =	rddreg [dreg:$0x1];
	p0 =	sne.s32 s2, $0x0  }
0x85: {  	s3 =	rddreg [dreg:$0x2];
	[bflag:$0x3] =	sbarrier.arrive $0xFFFF;
	s2 =	simm.s32 @!p0 $0x1C05  }
0x86: {  	[timem:s3], [sflag:s2] =	dma.local @!p0 [hbm:s0], s1  }
0x87: {  	s0 =	simm.s32 @!p0 $0x5  }
0x88: {  	_ =	swait.ge @!p0 [sflag:s0], s1  }
0x89: {  	s1 =	ssub.s32 @!p0 $0x0, s1;
	[sflag:s0] =	ssyncset.done @!p0 $0x0  }
0x8a: {  	[sflag:s0] =	ssyncadd.s32 @!p0 s1  }
0x8b: {  	[bflag:$0x3] =	sbarrier.arrive $0xFFFF  }
0x8c: {  	_ =	shalt  }

</sc_bundles>
